<compile_context>
chip_gen: v7x
topology: tpu7x:2x2x1
jax: 0.10.2.dev20260603
libtpu: 0.0.44.dev20260713+nightly
codegen_flags: <defaults>
</compile_context>

<pallas_src>
import functools

import jax
import jax.numpy as jnp
from jax import lax
from jax.experimental import pallas as pl
from jax.experimental.pallas import tpu as pltpu
from jax.experimental.pallas import tpu_sc as plsc

VOCAB_ROWS = 1000000
EMBED = 64
OUT_DIM = 128
BATCH = 4096
HIST = 200

NC = 2
NS = 16
NW = NC * NS
SPT = BATCH // NW
C0, C1 = 104, 96
VR = EMBED // 16
NBUF = 3

_mesh = plsc.VectorSubcoreMesh(core_axis_name="c", subcore_axis_name="s")

_WROWS = 8000


def _widen_body(t_ref, o_ref):
    x = t_ref[...].reshape(_WROWS, EMBED)
    o_ref[...] = jnp.concatenate([x, x], axis=1)


_widen_tc = pl.pallas_call(
    _widen_body,
    out_shape=jax.ShapeDtypeStruct((VOCAB_ROWS, 2 * EMBED), jnp.float32),
    grid=(VOCAB_ROWS // _WROWS,),
    in_specs=[pl.BlockSpec((_WROWS // 8, 8, EMBED), lambda i: (i, 0, 0))],
    out_specs=pl.BlockSpec((_WROWS, 2 * EMBED), lambda i: (i, 0)),
)


@functools.partial(
    pl.kernel,
    out_type=jax.ShapeDtypeStruct((BATCH * EMBED,), jnp.float32),
    mesh=_mesh,
    compiler_params=pltpu.CompilerParams(use_tc_tiling_on_sc=True),
    scratch_types=[
        pltpu.VMEM((SPT * HIST,), jnp.int32),
        pltpu.VMEM((NBUF, HIST, 2 * EMBED), jnp.float32),
        pltpu.VMEM((SPT * EMBED,), jnp.float32),
        [pltpu.SemaphoreType.DMA] * NBUF,
    ],
)
def _pool_sc(x_hbm, table_hbm, out_hbm, idx_v, rows_v, pooled_v, sems):
    wid = lax.axis_index("s") * NC + lax.axis_index("c")
    pltpu.sync_copy(x_hbm.at[pl.ds(wid * (SPT * HIST), SPT * HIST)], idx_v)

    def issue(s, b):
        off = pl.multiple_of(s * HIST, 8)
        pltpu.async_copy(table_hbm.at[idx_v.at[pl.ds(off, C0)]],
                         rows_v.at[b, pl.ds(0, C0)], sems[b])
        pltpu.async_copy(table_hbm.at[idx_v.at[pl.ds(off + C0, C1)]],
                         rows_v.at[b, pl.ds(C0, C1)], sems[b])

    def drain(b):
        pltpu.make_async_copy(table_hbm.at[idx_v.at[pl.ds(0, C0)]],
                              rows_v.at[b, pl.ds(0, C0)], sems[b]).wait()
        pltpu.make_async_copy(table_hbm.at[idx_v.at[pl.ds(0, C1)]],
                              rows_v.at[b, pl.ds(C0, C1)], sems[b]).wait()

    for b in range(NBUF):
        issue(b, b)

    def accum(s, b):
        drain(b)

        def body(r, acc):
            return tuple(acc[j] + rows_v[b, r, pl.ds(16 * j, 16)]
                         for j in range(VR))

        z = jnp.zeros((16,), jnp.float32)
        acc = lax.fori_loop(0, HIST, body, (z,) * VR, unroll=8)
        for j in range(VR):
            pooled_v[pl.ds(s * EMBED + 16 * j, 16)] = acc[j]

    NFULL = SPT // NBUF

    def group(i, carry):
        sb = i * NBUF
        for b in range(NBUF):
            s = sb + b
            accum(s, b)

            @pl.when(s + NBUF < SPT)
            def _():
                issue(s + NBUF, b)
        return carry

    lax.fori_loop(0, NFULL, group, 0)
    for t in range(SPT % NBUF):
        accum(NFULL * NBUF + t, t)
    pltpu.sync_copy(pooled_v,
                    out_hbm.at[pl.ds(wid * (SPT * EMBED), SPT * EMBED)])


def _head_body(ps_ref, w_ref, b_ref, o_ref):
    pooled = ps_ref[...] * (1.0 / HIST)
    out = lax.dot_general(pooled, w_ref[...], (((1,), (1,)), ((), ())),
                          preferred_element_type=jnp.float32)
    out = out + b_ref[...]
    ss = jnp.sum(out * out, axis=1, keepdims=True)
    o_ref[...] = out / jnp.maximum(jnp.sqrt(ss), 1e-12)


_head_tc = pl.pallas_call(
    _head_body,
    out_shape=jax.ShapeDtypeStruct((BATCH, OUT_DIM), jnp.float32),
    grid=(4,),
    in_specs=[
        pl.BlockSpec((BATCH // 4, EMBED), lambda i: (i, 0)),
        pl.BlockSpec((OUT_DIM, EMBED), lambda i: (0, 0)),
        pl.BlockSpec((1, OUT_DIM), lambda i: (0, 0)),
    ],
    out_specs=pl.BlockSpec((BATCH // 4, OUT_DIM), lambda i: (i, 0)),
)


def kernel(x, table, W, b):
    xf = x.astype(jnp.int32).reshape(-1)
    t2 = _widen_tc(table.reshape(VOCAB_ROWS // 8, 8, EMBED))
    sums = _pool_sc(xf, t2).reshape(BATCH, EMBED)
    return _head_tc(sums, W, b.reshape(1, OUT_DIM))

# --- scband reference (transcript-rebuilt; emitter-appended) ---
"""Pipeline reference for scband-continuous-ngram-embedding-net-11029476016346 (READ-ONLY COPY).

The authoritative reference and input builder live on the scoring server;
editing this copy changes nothing except your own understanding.
"""

import jax, jax.numpy as jnp
import numpy as np

VOCAB = 1000000
EMBED_DIM = 64
OUTPUT_DIM = 128
BATCH = 4096
HIST = 200

def setup_inputs(seed: int = 0) -> dict:
    key = jax.random.key(seed)
    k1, k2, k3, k4 = jax.random.split(key, 4)
    x = jax.random.randint(k1, (BATCH, HIST), 0, VOCAB, dtype=jnp.int64 if jax.config.jax_enable_x64 else jnp.int32)
    table = jax.random.normal(k2, (VOCAB, EMBED_DIM), dtype=jnp.float32)
    W = jax.random.normal(k3, (OUTPUT_DIM, EMBED_DIM), dtype=jnp.float32) * (1.0 / np.sqrt(EMBED_DIM))
    b = jax.random.normal(k4, (OUTPUT_DIM,), dtype=jnp.float32) * 0.01
    return {"x": x, "table": table, "W": W, "b": b}

def reference(x, table, W, b):
    # Embedding lookup: [B, L] -> [B, L, D]
    emb = jnp.take(table, x, axis=0)
    # Dropout is identity in eval mode.
    # AdaptiveAvgPool2d((1, None)) on 3D input (B, L, D) pools L -> 1: [B, 1, D]; squeeze -> [B, D]
    pooled = jnp.mean(emb, axis=1)
    # Linear: [B, D] @ W.T + b -> [B, OUTPUT_DIM]
    out = pooled @ W.T + b
    # F.normalize: L2 normalize along dim=1 with eps=1e-12
    norm = jnp.linalg.norm(out, ord=2, axis=1, keepdims=True)
    out = out / jnp.maximum(norm, 1e-12)
    return out

if __name__ == "__main__":
    import jax
    _d = setup_inputs()
    print(jax.jit(kernel)(*tuple(_d.values())))

</pallas_src>

<mosaic_0001>
#map = affine_map<(d0, d1) -> (0)>
#map1 = affine_map<(d0, d1) -> (0, 0)>
module attributes {stable_mosaic.version = 14 : i64} {
  func.func @_pool_sc(%arg0: i32, %arg1: i32, %arg2: memref<819200xi32, #tpu.memory_space<hbm>>, %arg3: memref<1000000x128xf32, #tpu.memory_space<hbm>>, %arg4: memref<262144xf32, #tpu.memory_space<hbm>>, %arg5: memref<25600xi32, #tpu.memory_space<vmem>>, %arg6: memref<3x200x128xf32, #tpu.memory_space<vmem>>, %arg7: memref<8192xf32, #tpu.memory_space<vmem>>, %arg8: memref<!tpu.dma_semaphore, #tpu.memory_space<semaphore_mem>>, %arg9: memref<!tpu.dma_semaphore, #tpu.memory_space<semaphore_mem>>, %arg10: memref<!tpu.dma_semaphore, #tpu.memory_space<semaphore_mem>>) attributes {dimension_semantics = [#tpu.dimension_semantics<core_parallel>, #tpu.dimension_semantics<subcore_parallel>], iteration_bounds = array<i64: 2, 16>, scalar_prefetch = 0 : i64, scratch_operands = 6 : i64, tpu.core_type = #tpu.core_type<sc_vector_subcore>, window_params = [{transform_indices = #map}, {transform_indices = #map1}, {transform_indices = #map}]} {
    %mul3A = arith.constant 2 : i32
    %mul3A_0 = arith.muli %arg1, %mul3A : i32
    %add3A = arith.addi %mul3A_0, %arg0 : i32
    %mul3A_1 = arith.constant 25600 : i32
    %mul3A_2 = arith.muli %add3A, %mul3A_1 : i32
    "tpu.region"() ({
      %run_scoped3A = tpu.sem_alloc : memref<!tpu.dma_semaphore, #tpu.memory_space<semaphore_mem>>
      %dma_start3A_159 = tpu.memref_slice %arg2[%mul3A_2] : memref<819200xi32, #tpu.memory_space<hbm>> -> memref<25600xi32, #tpu.memory_space<hbm>>
      %dma_start3A_160 = tpu.memref_slice %arg2[%mul3A_2] : memref<819200xi32, #tpu.memory_space<hbm>> -> memref<25600xi32, #tpu.memory_space<hbm>>
      tpu.enqueue_dma source(%dma_start3A_160 : memref<25600xi32, #tpu.memory_space<hbm>>) target(%arg5 : memref<25600xi32, #tpu.memory_space<vmem>>) target_semaphore(%run_scoped3A : memref<!tpu.dma_semaphore, #tpu.memory_space<semaphore_mem>>)
      %dma_wait3A_161 = tpu.memref_slice %arg2[%mul3A_2] : memref<819200xi32, #tpu.memory_space<hbm>> -> memref<25600xi32, #tpu.memory_space<hbm>>
      %dma_wait3A_162 = tpu.memref_slice %arg2[%mul3A_2] : memref<819200xi32, #tpu.memory_space<hbm>> -> memref<25600xi32, #tpu.memory_space<hbm>>
      tpu.wait_dma2 semaphore(%run_scoped3A : memref<!tpu.dma_semaphore, #tpu.memory_space<semaphore_mem>>) src(%dma_wait3A_162 : memref<25600xi32, #tpu.memory_space<hbm>>) dst(%arg5 : memref<25600xi32, #tpu.memory_space<vmem>>)
      tpu.yield
    }) : () -> ()
    %multiple_of3A = arith.constant 0 : i32
    %multiple_of3A_3 = tpu.assume_multiple %multiple_of3A, 8 : i32
    %dma_start3A = arith.constant 0 : i32
    %dma_start3A_4 = arith.constant 0 : i32
    %dma_start3A_5 = arith.constant 0 : i32
    %dma_start3A_6 = tpu.memref_slice %arg6[%dma_start3A, %dma_start3A_4, %dma_start3A_5] : memref<3x200x128xf32, #tpu.memory_space<vmem>> -> memref<1x104x128xf32, #tpu.memory_space<vmem>>
    %dma_start3A_7 = tpu.memref_squeeze %dma_start3A_6 : memref<1x104x128xf32, #tpu.memory_space<vmem>> -> memref<104x128xf32, #tpu.memory_space<vmem>>
    %dma_start3A_8 = tpu.memref_slice %arg5[%multiple_of3A_3] : memref<25600xi32, #tpu.memory_space<vmem>> -> memref<104xi32, #tpu.memory_space<vmem>>
    %dma_start3A_9 = arith.constant 0 : i32
    %dma_start3A_10 = arith.constant 0 : i32
    %dma_start3A_11 = tpu.memref_slice %arg3[%dma_start3A_9, %dma_start3A_10] : memref<1000000x128xf32, #tpu.memory_space<hbm>> -> memref<1000000x128xf32, #tpu.memory_space<hbm>>
    tpu.enqueue_indirect_dma source(%dma_start3A_11 : memref<1000000x128xf32, #tpu.memory_space<hbm>>) target(%dma_start3A_7 : memref<104x128xf32, #tpu.memory_space<vmem>>) offsets(%dma_start3A_8 : memref<104xi32, #tpu.memory_space<vmem>>) semaphore(%arg8 : memref<!tpu.dma_semaphore, #tpu.memory_space<semaphore_mem>>)
    %add3A_12 = arith.constant 104 : i32
    %add3A_13 = arith.addi %multiple_of3A_3, %add3A_12 : i32
    %dma_start3A_14 = arith.constant 0 : i32
    %dma_start3A_15 = arith.constant 104 : i32
    %dma_start3A_16 = arith.constant 0 : i32
    %dma_start3A_17 = tpu.memref_slice %arg6[%dma_start3A_14, %dma_start3A_15, %dma_start3A_16] : memref<3x200x128xf32, #tpu.memory_space<vmem>> -> memref<1x96x128xf32, #tpu.memory_space<vmem>>
    %dma_start3A_18 = tpu.memref_squeeze %dma_start3A_17 : memref<1x96x128xf32, #tpu.memory_space<vmem>> -> memref<96x128xf32, #tpu.memory_space<vmem>>
    %dma_start3A_19 = tpu.memref_slice %arg5[%add3A_13] : memref<25600xi32, #tpu.memory_space<vmem>> -> memref<96xi32, #tpu.memory_space<vmem>>
    %dma_start3A_20 = arith.constant 0 : i32
    %dma_start3A_21 = arith.constant 0 : i32
    %dma_start3A_22 = tpu.memref_slice %arg3[%dma_start3A_20, %dma_start3A_21] : memref<1000000x128xf32, #tpu.memory_space<hbm>> -> memref<1000000x128xf32, #tpu.memory_space<hbm>>
    tpu.enqueue_indirect_dma source(%dma_start3A_22 : memref<1000000x128xf32, #tpu.memory_space<hbm>>) target(%dma_start3A_18 : memref<96x128xf32, #tpu.memory_space<vmem>>) offsets(%dma_start3A_19 : memref<96xi32, #tpu.memory_space<vmem>>) semaphore(%arg8 : memref<!tpu.dma_semaphore, #tpu.memory_space<semaphore_mem>>)
    %multiple_of3A_23 = arith.constant 200 : i32
    %multiple_of3A_24 = tpu.assume_multiple %multiple_of3A_23, 8 : i32
    %dma_start3A_25 = arith.constant 1 : i32
    %dma_start3A_26 = arith.constant 0 : i32
    %dma_start3A_27 = arith.constant 0 : i32
    %dma_start3A_28 = tpu.memref_slice %arg6[%dma_start3A_25, %dma_start3A_26, %dma_start3A_27] : memref<3x200x128xf32, #tpu.memory_space<vmem>> -> memref<1x104x128xf32, #tpu.memory_space<vmem>>
    %dma_start3A_29 = tpu.memref_squeeze %dma_start3A_28 : memref<1x104x128xf32, #tpu.memory_space<vmem>> -> memref<104x128xf32, #tpu.memory_space<vmem>>
    %dma_start3A_30 = tpu.memref_slice %arg5[%multiple_of3A_24] : memref<25600xi32, #tpu.memory_space<vmem>> -> memref<104xi32, #tpu.memory_space<vmem>>
    %dma_start3A_31 = arith.constant 0 : i32
    %dma_start3A_32 = arith.constant 0 : i32
    %dma_start3A_33 = tpu.memref_slice %arg3[%dma_start3A_31, %dma_start3A_32] : memref<1000000x128xf32, #tpu.memory_space<hbm>> -> memref<1000000x128xf32, #tpu.memory_space<hbm>>
    tpu.enqueue_indirect_dma source(%dma_start3A_33 : memref<1000000x128xf32, #tpu.memory_space<hbm>>) target(%dma_start3A_29 : memref<104x128xf32, #tpu.memory_space<vmem>>) offsets(%dma_start3A_30 : memref<104xi32, #tpu.memory_space<vmem>>) semaphore(%arg9 : memref<!tpu.dma_semaphore, #tpu.memory_space<semaphore_mem>>)
    %add3A_34 = arith.constant 104 : i32
    %add3A_35 = arith.addi %multiple_of3A_24, %add3A_34 : i32
    %dma_start3A_36 = arith.constant 1 : i32
    %dma_start3A_37 = arith.constant 104 : i32
    %dma_start3A_38 = arith.constant 0 : i32
    %dma_start3A_39 = tpu.memref_slice %arg6[%dma_start3A_36, %dma_start3A_37, %dma_start3A_38] : memref<3x200x128xf32, #tpu.memory_space<vmem>> -> memref<1x96x128xf32, #tpu.memory_space<vmem>>
    %dma_start3A_40 = tpu.memref_squeeze %dma_start3A_39 : memref<1x96x128xf32, #tpu.memory_space<vmem>> -> memref<96x128xf32, #tpu.memory_space<vmem>>
    %dma_start3A_41 = tpu.memref_slice %arg5[%add3A_35] : memref<25600xi32, #tpu.memory_space<vmem>> -> memref<96xi32, #tpu.memory_space<vmem>>
    %dma_start3A_42 = arith.constant 0 : i32
    %dma_start3A_43 = arith.constant 0 : i32
    %dma_start3A_44 = tpu.memref_slice %arg3[%dma_start3A_42, %dma_start3A_43] : memref<1000000x128xf32, #tpu.memory_space<hbm>> -> memref<1000000x128xf32, #tpu.memory_space<hbm>>
    tpu.enqueue_indirect_dma source(%dma_start3A_44 : memref<1000000x128xf32, #tpu.memory_space<hbm>>) target(%dma_start3A_40 : memref<96x128xf32, #tpu.memory_space<vmem>>) offsets(%dma_start3A_41 : memref<96xi32, #tpu.memory_space<vmem>>) semaphore(%arg9 : memref<!tpu.dma_semaphore, #tpu.memory_space<semaphore_mem>>)
    %multiple_of3A_45 = arith.constant 400 : i32
    %multiple_of3A_46 = tpu.assume_multiple %multiple_of3A_45, 8 : i32
    %dma_start3A_47 = arith.constant 2 : i32
    %dma_start3A_48 = arith.constant 0 : i32
    %dma_start3A_49 = arith.constant 0 : i32
    %dma_start3A_50 = tpu.memref_slice %arg6[%dma_start3A_47, %dma_start3A_48, %dma_start3A_49] : memref<3x200x128xf32, #tpu.memory_space<vmem>> -> memref<1x104x128xf32, #tpu.memory_space<vmem>>
    %dma_start3A_51 = tpu.memref_squeeze %dma_start3A_50 : memref<1x104x128xf32, #tpu.memory_space<vmem>> -> memref<104x128xf32, #tpu.memory_space<vmem>>
    %dma_start3A_52 = tpu.memref_slice %arg5[%multiple_of3A_46] : memref<25600xi32, #tpu.memory_space<vmem>> -> memref<104xi32, #tpu.memory_space<vmem>>
    %dma_start3A_53 = arith.constant 0 : i32
    %dma_start3A_54 = arith.constant 0 : i32
    %dma_start3A_55 = tpu.memref_slice %arg3[%dma_start3A_53, %dma_start3A_54] : memref<1000000x128xf32, #tpu.memory_space<hbm>> -> memref<1000000x128xf32, #tpu.memory_space<hbm>>
    tpu.enqueue_indirect_dma source(%dma_start3A_55 : memref<1000000x128xf32, #tpu.memory_space<hbm>>) target(%dma_start3A_51 : memref<104x128xf32, #tpu.memory_space<vmem>>) offsets(%dma_start3A_52 : memref<104xi32, #tpu.memory_space<vmem>>) semaphore(%arg10 : memref<!tpu.dma_semaphore, #tpu.memory_space<semaphore_mem>>)
    %add3A_56 = arith.constant 104 : i32
    %add3A_57 = arith.addi %multiple_of3A_46, %add3A_56 : i32
    %dma_start3A_58 = arith.constant 2 : i32
    %dma_start3A_59 = arith.constant 104 : i32
    %dma_start3A_60 = arith.constant 0 : i32
    %dma_start3A_61 = tpu.memref_slice %arg6[%dma_start3A_58, %dma_start3A_59, %dma_start3A_60] : memref<3x200x128xf32, #tpu.memory_space<vmem>> -> memref<1x96x128xf32, #tpu.memory_space<vmem>>
    %dma_start3A_62 = tpu.memref_squeeze %dma_start3A_61 : memref<1x96x128xf32, #tpu.memory_space<vmem>> -> memref<96x128xf32, #tpu.memory_space<vmem>>
    %dma_start3A_63 = tpu.memref_slice %arg5[%add3A_57] : memref<25600xi32, #tpu.memory_space<vmem>> -> memref<96xi32, #tpu.memory_space<vmem>>
    %dma_start3A_64 = arith.constant 0 : i32
    %dma_start3A_65 = arith.constant 0 : i32
    %dma_start3A_66 = tpu.memref_slice %arg3[%dma_start3A_64, %dma_start3A_65] : memref<1000000x128xf32, #tpu.memory_space<hbm>> -> memref<1000000x128xf32, #tpu.memory_space<hbm>>
    tpu.enqueue_indirect_dma source(%dma_start3A_66 : memref<1000000x128xf32, #tpu.memory_space<hbm>>) target(%dma_start3A_62 : memref<96x128xf32, #tpu.memory_space<vmem>>) offsets(%dma_start3A_63 : memref<96xi32, #tpu.memory_space<vmem>>) semaphore(%arg10 : memref<!tpu.dma_semaphore, #tpu.memory_space<semaphore_mem>>)
    %scan3A = arith.constant 0 : i32
    %scan3A_67 = arith.constant 0 : i32
    %scan3A_68 = arith.constant 42 : i32
    %scan3A_69 = arith.addi %scan3A_67, %scan3A_68 : i32
    %scan3A_70 = arith.constant 1 : i32
    scf.for %scan3A_159 = %scan3A_67 to %scan3A_69 step %scan3A_70  : i32 {
      %mul3A_160 = arith.constant 3 : i32
      %mul3A_161 = arith.muli %scan3A_159, %mul3A_160 : i32
      %add3A_162 = arith.constant 0 : i32
      %add3A_163 = arith.addi %mul3A_161, %add3A_162 : i32
      %dma_wait3A_164 = arith.constant 0 : i32
      %dma_wait3A_165 = arith.constant 0 : i32
      %dma_wait3A_166 = arith.constant 0 : i32
      %dma_wait3A_167 = tpu.memref_slice %arg6[%dma_wait3A_164, %dma_wait3A_165, %dma_wait3A_166] : memref<3x200x128xf32, #tpu.memory_space<vmem>> -> memref<1x104x128xf32, #tpu.memory_space<vmem>>
      %dma_wait3A_168 = tpu.memref_squeeze %dma_wait3A_167 : memref<1x104x128xf32, #tpu.memory_space<vmem>> -> memref<104x128xf32, #tpu.memory_space<vmem>>
      %dma_wait3A_169 = arith.constant 0 : i32
      %dma_wait3A_170 = tpu.memref_slice %arg5[%dma_wait3A_169] : memref<25600xi32, #tpu.memory_space<vmem>> -> memref<104xi32, #tpu.memory_space<vmem>>
      %dma_wait3A_171 = arith.constant 0 : i32
      %dma_wait3A_172 = arith.constant 0 : i32
      %dma_wait3A_173 = tpu.memref_slice %arg3[%dma_wait3A_171, %dma_wait3A_172] : memref<1000000x128xf32, #tpu.memory_space<hbm>> -> memref<1000000x128xf32, #tpu.memory_space<hbm>>
      tpu.wait_indirect_dma semaphore(%arg8 : memref<!tpu.dma_semaphore, #tpu.memory_space<semaphore_mem>>) src(%dma_wait3A_173 : memref<1000000x128xf32, #tpu.memory_space<hbm>>) dst(%dma_wait3A_168 : memref<104x128xf32, #tpu.memory_space<vmem>>)
      %dma_wait3A_174 = arith.constant 0 : i32
      %dma_wait3A_175 = arith.constant 104 : i32
      %dma_wait3A_176 = arith.constant 0 : i32
      %dma_wait3A_177 = tpu.memref_slice %arg6[%dma_wait3A_174, %dma_wait3A_175, %dma_wait3A_176] : memref<3x200x128xf32, #tpu.memory_space<vmem>> -> memref<1x96x128xf32, #tpu.memory_space<vmem>>
      %dma_wait3A_178 = tpu.memref_squeeze %dma_wait3A_177 : memref<1x96x128xf32, #tpu.memory_space<vmem>> -> memref<96x128xf32, #tpu.memory_space<vmem>>
      %dma_wait3A_179 = arith.constant 0 : i32
      %dma_wait3A_180 = tpu.memref_slice %arg5[%dma_wait3A_179] : memref<25600xi32, #tpu.memory_space<vmem>> -> memref<96xi32, #tpu.memory_space<vmem>>
      %dma_wait3A_181 = arith.constant 0 : i32
      %dma_wait3A_182 = arith.constant 0 : i32
      %dma_wait3A_183 = tpu.memref_slice %arg3[%dma_wait3A_181, %dma_wait3A_182] : memref<1000000x128xf32, #tpu.memory_space<hbm>> -> memref<1000000x128xf32, #tpu.memory_space<hbm>>
      tpu.wait_indirect_dma semaphore(%arg8 : memref<!tpu.dma_semaphore, #tpu.memory_space<semaphore_mem>>) src(%dma_wait3A_183 : memref<1000000x128xf32, #tpu.memory_space<hbm>>) dst(%dma_wait3A_178 : memref<96x128xf32, #tpu.memory_space<vmem>>)
      %broadcast_in_dim3A_184 = arith.constant 0.000000e+00 : f32
      %broadcast_in_dim3A_185 = vector.broadcast %broadcast_in_dim3A_184 : f32 to vector<16xf32>
      %scan3A_186 = arith.constant 0 : i32
      %scan3A_187 = arith.constant 200 : i32
      %scan3A_188 = arith.addi %scan3A_186, %scan3A_187 : i32
      %scan3A_189 = arith.constant 8 : i32
      %scan3A_190:4 = scf.for %scan3A_366 = %scan3A_186 to %scan3A_188 step %scan3A_189 iter_args(%scan3A_367 = %broadcast_in_dim3A_185, %scan3A_368 = %broadcast_in_dim3A_185, %scan3A_369 = %broadcast_in_dim3A_185, %scan3A_370 = %broadcast_in_dim3A_185) -> (vector<16xf32>, vector<16xf32>, vector<16xf32>, vector<16xf32>)  : i32 {
        %get3A = arith.constant 0 : i32
        %get3A_371 = arith.index_cast %get3A : i32 to index
        %get3A_372 = arith.index_cast %scan3A_366 : i32 to index
        %get3A_373 = arith.constant 0 : index
        %get3A_374 = tpu.vector_load %arg6[%get3A_371, %get3A_372, %get3A_373] {strides = array<i32>} : memref<3x200x128xf32, #tpu.memory_space<vmem>>, vector<1x1x16xf32>,
        %get3A_375 = vector.shape_cast %get3A_374 : vector<1x1x16xf32> to vector<16xf32>
        %add3A_376 = arith.addf %scan3A_367, %get3A_375 : vector<16xf32>
        %get3A_377 = arith.constant 0 : i32
        %get3A_378 = arith.index_cast %get3A_377 : i32 to index
        %get3A_379 = arith.index_cast %scan3A_366 : i32 to index
        %get3A_380 = arith.constant 16 : index
        %get3A_381 = tpu.vector_load %arg6[%get3A_378, %get3A_379, %get3A_380] {strides = array<i32>} : memref<3x200x128xf32, #tpu.memory_space<vmem>>, vector<1x1x16xf32>,
        %get3A_382 = vector.shape_cast %get3A_381 : vector<1x1x16xf32> to vector<16xf32>
        %add3A_383 = arith.addf %scan3A_368, %get3A_382 : vector<16xf32>
        %get3A_384 = arith.constant 0 : i32
        %get3A_385 = arith.index_cast %get3A_384 : i32 to index
        %get3A_386 = arith.index_cast %scan3A_366 : i32 to index
        %get3A_387 = arith.constant 32 : index
        %get3A_388 = tpu.vector_load %arg6[%get3A_385, %get3A_386, %get3A_387] {strides = array<i32>} : memref<3x200x128xf32, #tpu.memory_space<vmem>>, vector<1x1x16xf32>,
        %get3A_389 = vector.shape_cast %get3A_388 : vector<1x1x16xf32> to vector<16xf32>
        %add3A_390 = arith.addf %scan3A_369, %get3A_389 : vector<16xf32>
        %get3A_391 = arith.constant 0 : i32
        %get3A_392 = arith.index_cast %get3A_391 : i32 to index
        %get3A_393 = arith.index_cast %scan3A_366 : i32 to index
        %get3A_394 = arith.constant 48 : index
        %get3A_395 = tpu.vector_load %arg6[%get3A_392, %get3A_393, %get3A_394] {strides = array<i32>} : memref<3x200x128xf32, #tpu.memory_space<vmem>>, vector<1x1x16xf32>,
        %get3A_396 = vector.shape_cast %get3A_395 : vector<1x1x16xf32> to vector<16xf32>
        %add3A_397 = arith.addf %scan3A_370, %get3A_396 : vector<16xf32>
        %scan3A_398 = arith.constant 1 : i32
        %scan3A_399 = arith.addi %scan3A_366, %scan3A_398 : i32
        %get3A_400 = arith.constant 0 : i32
        %get3A_401 = arith.index_cast %get3A_400 : i32 to index
        %get3A_402 = arith.index_cast %scan3A_399 : i32 to index
        %get3A_403 = arith.constant 0 : index
        %get3A_404 = tpu.vector_load %arg6[%get3A_401, %get3A_402, %get3A_403] {strides = array<i32>} : memref<3x200x128xf32, #tpu.memory_space<vmem>>, vector<1x1x16xf32>,
        %get3A_405 = vector.shape_cast %get3A_404 : vector<1x1x16xf32> to vector<16xf32>
        %add3A_406 = arith.addf %add3A_376, %get3A_405 : vector<16xf32>
        %get3A_407 = arith.constant 0 : i32
        %get3A_408 = arith.index_cast %get3A_407 : i32 to index
        %get3A_409 = arith.index_cast %scan3A_399 : i32 to index
        %get3A_410 = arith.constant 16 : index
        %get3A_411 = tpu.vector_load %arg6[%get3A_408, %get3A_409, %get3A_410] {strides = array<i32>} : memref<3x200x128xf32, #tpu.memory_space<vmem>>, vector<1x1x16xf32>,
        %get3A_412 = vector.shape_cast %get3A_411 : vector<1x1x16xf32> to vector<16xf32>
        %add3A_413 = arith.addf %add3A_383, %get3A_412 : vector<16xf32>
        %get3A_414 = arith.constant 0 : i32
        %get3A_415 = arith.index_cast %get3A_414 : i32 to index
        %get3A_416 = arith.index_cast %scan3A_399 : i32 to index
        %get3A_417 = arith.constant 32 : index
        %get3A_418 = tpu.vector_load %arg6[%get3A_415, %get3A_416, %get3A_417] {strides = array<i32>} : memref<3x200x128xf32, #tpu.memory_space<vmem>>, vector<1x1x16xf32>,
        %get3A_419 = vector.shape_cast %get3A_418 : vector<1x1x16xf32> to vector<16xf32>
        %add3A_420 = arith.addf %add3A_390, %get3A_419 : vector<16xf32>
        %get3A_421 = arith.constant 0 : i32
        %get3A_422 = arith.index_cast %get3A_421 : i32 to index
        %get3A_423 = arith.index_cast %scan3A_399 : i32 to index
        %get3A_424 = arith.constant 48 : index
        %get3A_425 = tpu.vector_load %arg6[%get3A_422, %get3A_423, %get3A_424] {strides = array<i32>} : memref<3x200x128xf32, #tpu.memory_space<vmem>>, vector<1x1x16xf32>,
        %get3A_426 = vector.shape_cast %get3A_425 : vector<1x1x16xf32> to vector<16xf32>
        %add3A_427 = arith.addf %add3A_397, %get3A_426 : vector<16xf32>
        %scan3A_428 = arith.constant 2 : i32
        %scan3A_429 = arith.addi %scan3A_366, %scan3A_428 : i32
        %get3A_430 = arith.constant 0 : i32
        %get3A_431 = arith.index_cast %get3A_430 : i32 to index
        %get3A_432 = arith.index_cast %scan3A_429 : i32 to index
        %get3A_433 = arith.constant 0 : index
        %get3A_434 = tpu.vector_load %arg6[%get3A_431, %get3A_432, %get3A_433] {strides = array<i32>} : memref<3x200x128xf32, #tpu.memory_space<vmem>>, vector<1x1x16xf32>,
        %get3A_435 = vector.shape_cast %get3A_434 : vector<1x1x16xf32> to vector<16xf32>
        %add3A_436 = arith.addf %add3A_406, %get3A_435 : vector<16xf32>
        %get3A_437 = arith.constant 0 : i32
        %get3A_438 = arith.index_cast %get3A_437 : i32 to index
        %get3A_439 = arith.index_cast %scan3A_429 : i32 to index
        %get3A_440 = arith.constant 16 : index
        %get3A_441 = tpu.vector_load %arg6[%get3A_438, %get3A_439, %get3A_440] {strides = array<i32>} : memref<3x200x128xf32, #tpu.memory_space<vmem>>, vector<1x1x16xf32>,
        %get3A_442 = vector.shape_cast %get3A_441 : vector<1x1x16xf32> to vector<16xf32>
        %add3A_443 = arith.addf %add3A_413, %get3A_442 : vector<16xf32>
        %get3A_444 = arith.constant 0 : i32
        %get3A_445 = arith.index_cast %get3A_444 : i32 to index
        %get3A_446 = arith.index_cast %scan3A_429 : i32 to index
        %get3A_447 = arith.constant 32 : index
        %get3A_448 = tpu.vector_load %arg6[%get3A_445, %get3A_446, %get3A_447] {strides = array<i32>} : memref<3x200x128xf32, #tpu.memory_space<vmem>>, vector<1x1x16xf32>,
        %get3A_449 = vector.shape_cast %get3A_448 : vector<1x1x16xf32> to vector<16xf32>
        %add3A_450 = arith.addf %add3A_420, %get3A_449 : vector<16xf32>
        %get3A_451 = arith.constant 0 : i32
        %get3A_452 = arith.index_cast %get3A_451 : i32 to index
        %get3A_453 = arith.index_cast %scan3A_429 : i32 to index
        %get3A_454 = arith.constant 48 : index
        %get3A_455 = tpu.vector_load %arg6[%get3A_452, %get3A_453, %get3A_454] {strides = array<i32>} : memref<3x200x128xf32, #tpu.memory_space<vmem>>, vector<1x1x16xf32>,
        %get3A_456 = vector.shape_cast %get3A_455 : vector<1x1x16xf32> to vector<16xf32>
        %add3A_457 = arith.addf %add3A_427, %get3A_456 : vector<16xf32>
        %scan3A_458 = arith.constant 3 : i32
        %scan3A_459 = arith.addi %scan3A_366, %scan3A_458 : i32
        %get3A_460 = arith.constant 0 : i32
        %get3A_461 = arith.index_cast %get3A_460 : i32 to index
        %get3A_462 = arith.index_cast %scan3A_459 : i32 to index
        %get3A_463 = arith.constant 0 : index
        %get3A_464 = tpu.vector_load %arg6[%get3A_461, %get3A_462, %get3A_463] {strides = array<i32>} : memref<3x200x128xf32, #tpu.memory_space<vmem>>, vector<1x1x16xf32>,
        %get3A_465 = vector.shape_cast %get3A_464 : vector<1x1x16xf32> to vector<16xf32>
        %add3A_466 = arith.addf %add3A_436, %get3A_465 : vector<16xf32>
        %get3A_467 = arith.constant 0 : i32
        %get3A_468 = arith.index_cast %get3A_467 : i32 to index
        %get3A_469 = arith.index_cast %scan3A_459 : i32 to index
        %get3A_470 = arith.constant 16 : index
        %get3A_471 = tpu.vector_load %arg6[%get3A_468, %get3A_469, %get3A_470] {strides = array<i32>} : memref<3x200x128xf32, #tpu.memory_space<vmem>>, vector<1x1x16xf32>,
        %get3A_472 = vector.shape_cast %get3A_471 : vector<1x1x16xf32> to vector<16xf32>
        %add3A_473 = arith.addf %add3A_443, %get3A_472 : vector<16xf32>
        %get3A_474 = arith.constant 0 : i32
        %get3A_475 = arith.index_cast %get3A_474 : i32 to index
        %get3A_476 = arith.index_cast %scan3A_459 : i32 to index
        %get3A_477 = arith.constant 32 : index
        %get3A_478 = tpu.vector_load %arg6[%get3A_475, %get3A_476, %get3A_477] {strides = array<i32>} : memref<3x200x128xf32, #tpu.memory_space<vmem>>, vector<1x1x16xf32>,
        %get3A_479 = vector.shape_cast %get3A_478 : vector<1x1x16xf32> to vector<16xf32>
        %add3A_480 = arith.addf %add3A_450, %get3A_479 : vector<16xf32>
        %get3A_481 = arith.constant 0 : i32
        %get3A_482 = arith.index_cast %get3A_481 : i32 to index
        %get3A_483 = arith.index_cast %scan3A_459 : i32 to index
        %get3A_484 = arith.constant 48 : index
        %get3A_485 = tpu.vector_load %arg6[%get3A_482, %get3A_483, %get3A_484] {strides = array<i32>} : memref<3x200x128xf32, #tpu.memory_space<vmem>>, vector<1x1x16xf32>,
        %get3A_486 = vector.shape_cast %get3A_485 : vector<1x1x16xf32> to vector<16xf32>
        %add3A_487 = arith.addf %add3A_457, %get3A_486 : vector<16xf32>
        %scan3A_488 = arith.constant 4 : i32
        %scan3A_489 = arith.addi %scan3A_366, %scan3A_488 : i32
        %get3A_490 = arith.constant 0 : i32
        %get3A_491 = arith.index_cast %get3A_490 : i32 to index
        %get3A_492 = arith.index_cast %scan3A_489 : i32 to index
        %get3A_493 = arith.constant 0 : index
        %get3A_494 = tpu.vector_load %arg6[%get3A_491, %get3A_492, %get3A_493] {strides = array<i32>} : memref<3x200x128xf32, #tpu.memory_space<vmem>>, vector<1x1x16xf32>,
        %get3A_495 = vector.shape_cast %get3A_494 : vector<1x1x16xf32> to vector<16xf32>
        %add3A_496 = arith.addf %add3A_466, %get3A_495 : vector<16xf32>
        %get3A_497 = arith.constant 0 : i32
        %get3A_498 = arith.index_cast %get3A_497 : i32 to index
        %get3A_499 = arith.index_cast %scan3A_489 : i32 to index
        %get3A_500 = arith.constant 16 : index
        %get3A_501 = tpu.vector_load %arg6[%get3A_498, %get3A_499, %get3A_500] {strides = array<i32>} : memref<3x200x128xf32, #tpu.memory_space<vmem>>, vector<1x1x16xf32>,
        %get3A_502 = vector.shape_cast %get3A_501 : vector<1x1x16xf32> to vector<16xf32>
        %add3A_503 = arith.addf %add3A_473, %get3A_502 : vector<16xf32>
        %get3A_504 = arith.constant 0 : i32
        %get3A_505 = arith.index_cast %get3A_504 : i32 to index
        %get3A_506 = arith.index_cast %scan3A_489 : i32 to index
        %get3A_507 = arith.constant 32 : index
        %get3A_508 = tpu.vector_load %arg6[%get3A_505, %get3A_506, %get3A_507] {strides = array<i32>} : memref<3x200x128xf32, #tpu.memory_space<vmem>>, vector<1x1x16xf32>,
        %get3A_509 = vector.shape_cast %get3A_508 : vector<1x1x16xf32> to vector<16xf32>
        %add3A_510 = arith.addf %add3A_480, %get3A_509 : vector<16xf32>
        %get3A_511 = arith.constant 0 : i32
        %get3A_512 = arith.index_cast %get3A_511 : i32 to index
        %get3A_513 = arith.index_cast %scan3A_489 : i32 to index
        %get3A_514 = arith.constant 48 : index
        %get3A_515 = tpu.vector_load %arg6[%get3A_512, %get3A_513, %get3A_514] {strides = array<i32>} : memref<3x200x128xf32, #tpu.memory_space<vmem>>, vector<1x1x16xf32>,
        %get3A_516 = vector.shape_cast %get3A_515 : vector<1x1x16xf32> to vector<16xf32>
        %add3A_517 = arith.addf %add3A_487, %get3A_516 : vector<16xf32>
        %scan3A_518 = arith.constant 5 : i32
        %scan3A_519 = arith.addi %scan3A_366, %scan3A_518 : i32
        %get3A_520 = arith.constant 0 : i32
        %get3A_521 = arith.index_cast %get3A_520 : i32 to index
        %get3A_522 = arith.index_cast %scan3A_519 : i32 to index
        %get3A_523 = arith.constant 0 : index
        %get3A_524 = tpu.vector_load %arg6[%get3A_521, %get3A_522, %get3A_523] {strides = array<i32>} : memref<3x200x128xf32, #tpu.memory_space<vmem>>, vector<1x1x16xf32>,
        %get3A_525 = vector.shape_cast %get3A_524 : vector<1x1x16xf32> to vector<16xf32>
        %add3A_526 = arith.addf %add3A_496, %get3A_525 : vector<16xf32>
        %get3A_527 = arith.constant 0 : i32
        %get3A_528 = arith.index_cast %get3A_527 : i32 to index
        %get3A_529 = arith.index_cast %scan3A_519 : i32 to index
        %get3A_530 = arith.constant 16 : index
        %get3A_531 = tpu.vector_load %arg6[%get3A_528, %get3A_529, %get3A_530] {strides = array<i32>} : memref<3x200x128xf32, #tpu.memory_space<vmem>>, vector<1x1x16xf32>,
        %get3A_532 = vector.shape_cast %get3A_531 : vector<1x1x16xf32> to vector<16xf32>
        %add3A_533 = arith.addf %add3A_503, %get3A_532 : vector<16xf32>
        %get3A_534 = arith.constant 0 : i32
        %get3A_535 = arith.index_cast %get3A_534 : i32 to index
        %get3A_536 = arith.index_cast %scan3A_519 : i32 to index
        %get3A_537 = arith.constant 32 : index
        %get3A_538 = tpu.vector_load %arg6[%get3A_535, %get3A_536, %get3A_537] {strides = array<i32>} : memref<3x200x128xf32, #tpu.memory_space<vmem>>, vector<1x1x16xf32>,
        %get3A_539 = vector.shape_cast %get3A_538 : vector<1x1x16xf32> to vector<16xf32>
        %add3A_540 = arith.addf %add3A_510, %get3A_539 : vector<16xf32>
        %get3A_541 = arith.constant 0 : i32
        %get3A_542 = arith.index_cast %get3A_541 : i32 to index
        %get3A_543 = arith.index_cast %scan3A_519 : i32 to index
        %get3A_544 = arith.constant 48 : index
        %get3A_545 = tpu.vector_load %arg6[%get3A_542, %get3A_543, %get3A_544] {strides = array<i32>} : memref<3x200x128xf32, #tpu.memory_space<vmem>>, vector<1x1x16xf32>,
        %get3A_546 = vector.shape_cast %get3A_545 : vector<1x1x16xf32> to vector<16xf32>
        %add3A_547 = arith.addf %add3A_517, %get3A_546 : vector<16xf32>
        %scan3A_548 = arith.constant 6 : i32
        %scan3A_549 = arith.addi %scan3A_366, %scan3A_548 : i32
        %get3A_550 = arith.constant 0 : i32
        %get3A_551 = arith.index_cast %get3A_550 : i32 to index
        %get3A_552 = arith.index_cast %scan3A_549 : i32 to index
        %get3A_553 = arith.constant 0 : index
        %get3A_554 = tpu.vector_load %arg6[%get3A_551, %get3A_552, %get3A_553] {strides = array<i32>} : memref<3x200x128xf32, #tpu.memory_space<vmem>>, vector<1x1x16xf32>,
        %get3A_555 = vector.shape_cast %get3A_554 : vector<1x1x16xf32> to vector<16xf32>
        %add3A_556 = arith.addf %add3A_526, %get3A_555 : vector<16xf32>
        %get3A_557 = arith.constant 0 : i32
        %get3A_558 = arith.index_cast %get3A_557 : i32 to index
        %get3A_559 = arith.index_cast %scan3A_549 : i32 to index
        %get3A_560 = arith.constant 16 : index
        %get3A_561 = tpu.vector_load %arg6[%get3A_558, %get3A_559, %get3A_560] {strides = array<i32>} : memref<3x200x128xf32, #tpu.memory_space<vmem>>, vector<1x1x16xf32>,
        %get3A_562 = vector.shape_cast %get3A_561 : vector<1x1x16xf32> to vector<16xf32>
        %add3A_563 = arith.addf %add3A_533, %get3A_562 : vector<16xf32>
        %get3A_564 = arith.constant 0 : i32
        %get3A_565 = arith.index_cast %get3A_564 : i32 to index
        %get3A_566 = arith.index_cast %scan3A_549 : i32 to index
        %get3A_567 = arith.constant 32 : index
        %get3A_568 = tpu.vector_load %arg6[%get3A_565, %get3A_566, %get3A_567] {strides = array<i32>} : memref<3x200x128xf32, #tpu.memory_space<vmem>>, vector<1x1x16xf32>,
        %get3A_569 = vector.shape_cast %get3A_568 : vector<1x1x16xf32> to vector<16xf32>
        %add3A_570 = arith.addf %add3A_540, %get3A_569 : vector<16xf32>
        %get3A_571 = arith.constant 0 : i32
        %get3A_572 = arith.index_cast %get3A_571 : i32 to index
        %get3A_573 = arith.index_cast %scan3A_549 : i32 to index
        %get3A_574 = arith.constant 48 : index
        %get3A_575 = tpu.vector_load %arg6[%get3A_572, %get3A_573, %get3A_574] {strides = array<i32>} : memref<3x200x128xf32, #tpu.memory_space<vmem>>, vector<1x1x16xf32>,
        %get3A_576 = vector.shape_cast %get3A_575 : vector<1x1x16xf32> to vector<16xf32>
        %add3A_577 = arith.addf %add3A_547, %get3A_576 : vector<16xf32>
        %scan3A_578 = arith.constant 7 : i32
        %scan3A_579 = arith.addi %scan3A_366, %scan3A_578 : i32
        %get3A_580 = arith.constant 0 : i32
        %get3A_581 = arith.index_cast %get3A_580 : i32 to index
        %get3A_582 = arith.index_cast %scan3A_579 : i32 to index
        %get3A_583 = arith.constant 0 : index
        %get3A_584 = tpu.vector_load %arg6[%get3A_581, %get3A_582, %get3A_583] {strides = array<i32>} : memref<3x200x128xf32, #tpu.memory_space<vmem>>, vector<1x1x16xf32>,
        %get3A_585 = vector.shape_cast %get3A_584 : vector<1x1x16xf32> to vector<16xf32>
        %add3A_586 = arith.addf %add3A_556, %get3A_585 : vector<16xf32>
        %get3A_587 = arith.constant 0 : i32
        %get3A_588 = arith.index_cast %get3A_587 : i32 to index
        %get3A_589 = arith.index_cast %scan3A_579 : i32 to index
        %get3A_590 = arith.constant 16 : index
        %get3A_591 = tpu.vector_load %arg6[%get3A_588, %get3A_589, %get3A_590] {strides = array<i32>} : memref<3x200x128xf32, #tpu.memory_space<vmem>>, vector<1x1x16xf32>,
        %get3A_592 = vector.shape_cast %get3A_591 : vector<1x1x16xf32> to vector<16xf32>
        %add3A_593 = arith.addf %add3A_563, %get3A_592 : vector<16xf32>
        %get3A_594 = arith.constant 0 : i32
        %get3A_595 = arith.index_cast %get3A_594 : i32 to index
        %get3A_596 = arith.index_cast %scan3A_579 : i32 to index
        %get3A_597 = arith.constant 32 : index
        %get3A_598 = tpu.vector_load %arg6[%get3A_595, %get3A_596, %get3A_597] {strides = array<i32>} : memref<3x200x128xf32, #tpu.memory_space<vmem>>, vector<1x1x16xf32>,
        %get3A_599 = vector.shape_cast %get3A_598 : vector<1x1x16xf32> to vector<16xf32>
        %add3A_600 = arith.addf %add3A_570, %get3A_599 : vector<16xf32>
        %get3A_601 = arith.constant 0 : i32
        %get3A_602 = arith.index_cast %get3A_601 : i32 to index
        %get3A_603 = arith.index_cast %scan3A_579 : i32 to index
        %get3A_604 = arith.constant 48 : index
        %get3A_605 = tpu.vector_load %arg6[%get3A_602, %get3A_603, %get3A_604] {strides = array<i32>} : memref<3x200x128xf32, #tpu.memory_space<vmem>>, vector<1x1x16xf32>,
        %get3A_606 = vector.shape_cast %get3A_605 : vector<1x1x16xf32> to vector<16xf32>
        %add3A_607 = arith.addf %add3A_577, %get3A_606 : vector<16xf32>
        scf.yield %add3A_586, %add3A_593, %add3A_600, %add3A_607 : vector<16xf32>, vector<16xf32>, vector<16xf32>, vector<16xf32>
      }
      %scan3A_191 = arith.constant 200 : i32
      %mul3A_192 = arith.constant 64 : i32
      %mul3A_193 = arith.muli %add3A_163, %mul3A_192 : i32
      %add3A_194 = arith.constant 0 : i32
      %add3A_195 = arith.addi %mul3A_193, %add3A_194 : i32
      %swap3A_196 = arith.index_cast %add3A_195 : i32 to index
      %swap3A_197 = tpu.vector_load %arg7[%swap3A_196] {strides = array<i32>} : memref<8192xf32, #tpu.memory_space<vmem>>, vector<16xf32>,
      %swap3A_198 = vector.shape_cast %swap3A_197 : vector<16xf32> to vector<16xf32>
      %swap3A_199 = vector.shape_cast %scan3A_190#0 : vector<16xf32> to vector<16xf32>
      tpu.vector_store %arg7[%swap3A_196], %swap3A_199 {strides = array<i32>} : memref<8192xf32, #tpu.memory_space<vmem>>, vector<16xf32>,
      %mul3A_200 = arith.constant 64 : i32
      %mul3A_201 = arith.muli %add3A_163, %mul3A_200 : i32
      %add3A_202 = arith.constant 16 : i32
      %add3A_203 = arith.addi %mul3A_201, %add3A_202 : i32
      %swap3A_204 = arith.index_cast %add3A_203 : i32 to index
      %swap3A_205 = tpu.vector_load %arg7[%swap3A_204] {strides = array<i32>} : memref<8192xf32, #tpu.memory_space<vmem>>, vector<16xf32>,
      %swap3A_206 = vector.shape_cast %swap3A_205 : vector<16xf32> to vector<16xf32>
      %swap3A_207 = vector.shape_cast %scan3A_190#1 : vector<16xf32> to vector<16xf32>
      tpu.vector_store %arg7[%swap3A_204], %swap3A_207 {strides = array<i32>} : memref<8192xf32, #tpu.memory_space<vmem>>, vector<16xf32>,
      %mul3A_208 = arith.constant 64 : i32
      %mul3A_209 = arith.muli %add3A_163, %mul3A_208 : i32
      %add3A_210 = arith.constant 32 : i32
      %add3A_211 = arith.addi %mul3A_209, %add3A_210 : i32
      %swap3A_212 = arith.index_cast %add3A_211 : i32 to index
      %swap3A_213 = tpu.vector_load %arg7[%swap3A_212] {strides = array<i32>} : memref<8192xf32, #tpu.memory_space<vmem>>, vector<16xf32>,
      %swap3A_214 = vector.shape_cast %swap3A_213 : vector<16xf32> to vector<16xf32>
      %swap3A_215 = vector.shape_cast %scan3A_190#2 : vector<16xf32> to vector<16xf32>
      tpu.vector_store %arg7[%swap3A_212], %swap3A_215 {strides = array<i32>} : memref<8192xf32, #tpu.memory_space<vmem>>, vector<16xf32>,
      %mul3A_216 = arith.constant 64 : i32
      %mul3A_217 = arith.muli %add3A_163, %mul3A_216 : i32
      %add3A_218 = arith.constant 48 : i32
      %add3A_219 = arith.addi %mul3A_217, %add3A_218 : i32
      %swap3A_220 = arith.index_cast %add3A_219 : i32 to index
      %swap3A_221 = tpu.vector_load %arg7[%swap3A_220] {strides = array<i32>} : memref<8192xf32, #tpu.memory_space<vmem>>, vector<16xf32>,
      %swap3A_222 = vector.shape_cast %swap3A_221 : vector<16xf32> to vector<16xf32>
      %swap3A_223 = vector.shape_cast %scan3A_190#3 : vector<16xf32> to vector<16xf32>
      tpu.vector_store %arg7[%swap3A_220], %swap3A_223 {strides = array<i32>} : memref<8192xf32, #tpu.memory_space<vmem>>, vector<16xf32>,
      %add3A_224 = arith.constant 3 : i32
      %add3A_225 = arith.addi %add3A_163, %add3A_224 : i32
      %lt3A = arith.constant 128 : i32
      %lt3A_226 = arith.cmpi slt, %add3A_225, %lt3A : i32
      %convert_element_type3A = arith.extui %lt3A_226 : i1 to i32
      %cond3A = arith.constant 0 : i32
      %cond3A_227 = arith.cmpi ne, %convert_element_type3A, %cond3A : i32
      scf.if %cond3A_227 {
        %add3A_366 = arith.constant 3 : i32
        %add3A_367 = arith.addi %add3A_163, %add3A_366 : i32
        %mul3A_368 = arith.constant 200 : i32
        %mul3A_369 = arith.muli %add3A_367, %mul3A_368 : i32
        %multiple_of3A_370 = tpu.assume_multiple %mul3A_369, 8 : i32
        %dma_start3A_371 = arith.constant 0 : i32
        %dma_start3A_372 = arith.constant 0 : i32
        %dma_start3A_373 = arith.constant 0 : i32
        %dma_start3A_374 = tpu.memref_slice %arg6[%dma_start3A_371, %dma_start3A_372, %dma_start3A_373] : memref<3x200x128xf32, #tpu.memory_space<vmem>> -> memref<1x104x128xf32, #tpu.memory_space<vmem>>
        %dma_start3A_375 = tpu.memref_squeeze %dma_start3A_374 : memref<1x104x128xf32, #tpu.memory_space<vmem>> -> memref<104x128xf32, #tpu.memory_space<vmem>>
        %dma_start3A_376 = tpu.memref_slice %arg5[%multiple_of3A_370] : memref<25600xi32, #tpu.memory_space<vmem>> -> memref<104xi32, #tpu.memory_space<vmem>>
        %dma_start3A_377 = arith.constant 0 : i32
        %dma_start3A_378 = arith.constant 0 : i32
        %dma_start3A_379 = tpu.memref_slice %arg3[%dma_start3A_377, %dma_start3A_378] : memref<1000000x128xf32, #tpu.memory_space<hbm>> -> memref<1000000x128xf32, #tpu.memory_space<hbm>>
        tpu.enqueue_indirect_dma source(%dma_start3A_379 : memref<1000000x128xf32, #tpu.memory_space<hbm>>) target(%dma_start3A_375 : memref<104x128xf32, #tpu.memory_space<vmem>>) offsets(%dma_start3A_376 : memref<104xi32, #tpu.memory_space<vmem>>) semaphore(%arg8 : memref<!tpu.dma_semaphore, #tpu.memory_space<semaphore_mem>>)
        %add3A_380 = arith.constant 104 : i32
        %add3A_381 = arith.addi %multiple_of3A_370, %add3A_380 : i32
        %dma_start3A_382 = arith.constant 0 : i32
        %dma_start3A_383 = arith.constant 104 : i32
        %dma_start3A_384 = arith.constant 0 : i32
        %dma_start3A_385 = tpu.memref_slice %arg6[%dma_start3A_382, %dma_start3A_383, %dma_start3A_384] : memref<3x200x128xf32, #tpu.memory_space<vmem>> -> memref<1x96x128xf32, #tpu.memory_space<vmem>>
        %dma_start3A_386 = tpu.memref_squeeze %dma_start3A_385 : memref<1x96x128xf32, #tpu.memory_space<vmem>> -> memref<96x128xf32, #tpu.memory_space<vmem>>
        %dma_start3A_387 = tpu.memref_slice %arg5[%add3A_381] : memref<25600xi32, #tpu.memory_space<vmem>> -> memref<96xi32, #tpu.memory_space<vmem>>
        %dma_start3A_388 = arith.constant 0 : i32
        %dma_start3A_389 = arith.constant 0 : i32
        %dma_start3A_390 = tpu.memref_slice %arg3[%dma_start3A_388, %dma_start3A_389] : memref<1000000x128xf32, #tpu.memory_space<hbm>> -> memref<1000000x128xf32, #tpu.memory_space<hbm>>
        tpu.enqueue_indirect_dma source(%dma_start3A_390 : memref<1000000x128xf32, #tpu.memory_space<hbm>>) target(%dma_start3A_386 : memref<96x128xf32, #tpu.memory_space<vmem>>) offsets(%dma_start3A_387 : memref<96xi32, #tpu.memory_space<vmem>>) semaphore(%arg8 : memref<!tpu.dma_semaphore, #tpu.memory_space<semaphore_mem>>)
      } else {
      }
      %add3A_228 = arith.constant 1 : i32
      %add3A_229 = arith.addi %mul3A_161, %add3A_228 : i32
      %dma_wait3A_230 = arith.constant 1 : i32
      %dma_wait3A_231 = arith.constant 0 : i32
      %dma_wait3A_232 = arith.constant 0 : i32
      %dma_wait3A_233 = tpu.memref_slice %arg6[%dma_wait3A_230, %dma_wait3A_231, %dma_wait3A_232] : memref<3x200x128xf32, #tpu.memory_space<vmem>> -> memref<1x104x128xf32, #tpu.memory_space<vmem>>
      %dma_wait3A_234 = tpu.memref_squeeze %dma_wait3A_233 : memref<1x104x128xf32, #tpu.memory_space<vmem>> -> memref<104x128xf32, #tpu.memory_space<vmem>>
      %dma_wait3A_235 = arith.constant 0 : i32
      %dma_wait3A_236 = tpu.memref_slice %arg5[%dma_wait3A_235] : memref<25600xi32, #tpu.memory_space<vmem>> -> memref<104xi32, #tpu.memory_space<vmem>>
      %dma_wait3A_237 = arith.constant 0 : i32
      %dma_wait3A_238 = arith.constant 0 : i32
      %dma_wait3A_239 = tpu.memref_slice %arg3[%dma_wait3A_237, %dma_wait3A_238] : memref<1000000x128xf32, #tpu.memory_space<hbm>> -> memref<1000000x128xf32, #tpu.memory_space<hbm>>
      tpu.wait_indirect_dma semaphore(%arg9 : memref<!tpu.dma_semaphore, #tpu.memory_space<semaphore_mem>>) src(%dma_wait3A_239 : memref<1000000x128xf32, #tpu.memory_space<hbm>>) dst(%dma_wait3A_234 : memref<104x128xf32, #tpu.memory_space<vmem>>)
      %dma_wait3A_240 = arith.constant 1 : i32
      %dma_wait3A_241 = arith.constant 104 : i32
      %dma_wait3A_242 = arith.constant 0 : i32
      %dma_wait3A_243 = tpu.memref_slice %arg6[%dma_wait3A_240, %dma_wait3A_241, %dma_wait3A_242] : memref<3x200x128xf32, #tpu.memory_space<vmem>> -> memref<1x96x128xf32, #tpu.memory_space<vmem>>
      %dma_wait3A_244 = tpu.memref_squeeze %dma_wait3A_243 : memref<1x96x128xf32, #tpu.memory_space<vmem>> -> memref<96x128xf32, #tpu.memory_space<vmem>>
      %dma_wait3A_245 = arith.constant 0 : i32
      %dma_wait3A_246 = tpu.memref_slice %arg5[%dma_wait3A_245] : memref<25600xi32, #tpu.memory_space<vmem>> -> memref<96xi32, #tpu.memory_space<vmem>>
      %dma_wait3A_247 = arith.constant 0 : i32
      %dma_wait3A_248 = arith.constant 0 : i32
      %dma_wait3A_249 = tpu.memref_slice %arg3[%dma_wait3A_247, %dma_wait3A_248] : memref<1000000x128xf32, #tpu.memory_space<hbm>> -> memref<1000000x128xf32, #tpu.memory_space<hbm>>
      tpu.wait_indirect_dma semaphore(%arg9 : memref<!tpu.dma_semaphore, #tpu.memory_space<semaphore_mem>>) src(%dma_wait3A_249 : memref<1000000x128xf32, #tpu.memory_space<hbm>>) dst(%dma_wait3A_244 : memref<96x128xf32, #tpu.memory_space<vmem>>)
      %broadcast_in_dim3A_250 = arith.constant 0.000000e+00 : f32
      %broadcast_in_dim3A_251 = vector.broadcast %broadcast_in_dim3A_250 : f32 to vector<16xf32>
      %scan3A_252 = arith.constant 0 : i32
      %scan3A_253 = arith.constant 200 : i32
      %scan3A_254 = arith.addi %scan3A_252, %scan3A_253 : i32
      %scan3A_255 = arith.constant 8 : i32
      %scan3A_256:4 = scf.for %scan3A_366 = %scan3A_252 to %scan3A_254 step %scan3A_255 iter_args(%scan3A_367 = %broadcast_in_dim3A_251, %scan3A_368 = %broadcast_in_dim3A_251, %scan3A_369 = %broadcast_in_dim3A_251, %scan3A_370 = %broadcast_in_dim3A_251) -> (vector<16xf32>, vector<16xf32>, vector<16xf32>, vector<16xf32>)  : i32 {
        %get3A = arith.constant 1 : i32
        %get3A_371 = arith.index_cast %get3A : i32 to index
        %get3A_372 = arith.index_cast %scan3A_366 : i32 to index
        %get3A_373 = arith.constant 0 : index
        %get3A_374 = tpu.vector_load %arg6[%get3A_371, %get3A_372, %get3A_373] {strides = array<i32>} : memref<3x200x128xf32, #tpu.memory_space<vmem>>, vector<1x1x16xf32>,
        %get3A_375 = vector.shape_cast %get3A_374 : vector<1x1x16xf32> to vector<16xf32>
        %add3A_376 = arith.addf %scan3A_367, %get3A_375 : vector<16xf32>
        %get3A_377 = arith.constant 1 : i32
        %get3A_378 = arith.index_cast %get3A_377 : i32 to index
        %get3A_379 = arith.index_cast %scan3A_366 : i32 to index
        %get3A_380 = arith.constant 16 : index
        %get3A_381 = tpu.vector_load %arg6[%get3A_378, %get3A_379, %get3A_380] {strides = array<i32>} : memref<3x200x128xf32, #tpu.memory_space<vmem>>, vector<1x1x16xf32>,
        %get3A_382 = vector.shape_cast %get3A_381 : vector<1x1x16xf32> to vector<16xf32>
        %add3A_383 = arith.addf %scan3A_368, %get3A_382 : vector<16xf32>
        %get3A_384 = arith.constant 1 : i32
        %get3A_385 = arith.index_cast %get3A_384 : i32 to index
        %get3A_386 = arith.index_cast %scan3A_366 : i32 to index
        %get3A_387 = arith.constant 32 : index
        %get3A_388 = tpu.vector_load %arg6[%get3A_385, %get3A_386, %get3A_387] {strides = array<i32>} : memref<3x200x128xf32, #tpu.memory_space<vmem>>, vector<1x1x16xf32>,
        %get3A_389 = vector.shape_cast %get3A_388 : vector<1x1x16xf32> to vector<16xf32>
        %add3A_390 = arith.addf %scan3A_369, %get3A_389 : vector<16xf32>
        %get3A_391 = arith.constant 1 : i32
        %get3A_392 = arith.index_cast %get3A_391 : i32 to index
        %get3A_393 = arith.index_cast %scan3A_366 : i32 to index
        %get3A_394 = arith.constant 48 : index
        %get3A_395 = tpu.vector_load %arg6[%get3A_392, %get3A_393, %get3A_394] {strides = array<i32>} : memref<3x200x128xf32, #tpu.memory_space<vmem>>, vector<1x1x16xf32>,
        %get3A_396 = vector.shape_cast %get3A_395 : vector<1x1x16xf32> to vector<16xf32>
        %add3A_397 = arith.addf %scan3A_370, %get3A_396 : vector<16xf32>
        %scan3A_398 = arith.constant 1 : i32
        %scan3A_399 = arith.addi %scan3A_366, %scan3A_398 : i32
        %get3A_400 = arith.constant 1 : i32
        %get3A_401 = arith.index_cast %get3A_400 : i32 to index
        %get3A_402 = arith.index_cast %scan3A_399 : i32 to index
        %get3A_403 = arith.constant 0 : index
        %get3A_404 = tpu.vector_load %arg6[%get3A_401, %get3A_402, %get3A_403] {strides = array<i32>} : memref<3x200x128xf32, #tpu.memory_space<vmem>>, vector<1x1x16xf32>,
        %get3A_405 = vector.shape_cast %get3A_404 : vector<1x1x16xf32> to vector<16xf32>
        %add3A_406 = arith.addf %add3A_376, %get3A_405 : vector<16xf32>
        %get3A_407 = arith.constant 1 : i32
        %get3A_408 = arith.index_cast %get3A_407 : i32 to index
        %get3A_409 = arith.index_cast %scan3A_399 : i32 to index
        %get3A_410 = arith.constant 16 : index
        %get3A_411 = tpu.vector_load %arg6[%get3A_408, %get3A_409, %get3A_410] {strides = array<i32>} : memref<3x200x128xf32, #tpu.memory_space<vmem>>, vector<1x1x16xf32>,
        %get3A_412 = vector.shape_cast %get3A_411 : vector<1x1x16xf32> to vector<16xf32>
        %add3A_413 = arith.addf %add3A_383, %get3A_412 : vector<16xf32>
        %get3A_414 = arith.constant 1 : i32
        %get3A_415 = arith.index_cast %get3A_414 : i32 to index
        %get3A_416 = arith.index_cast %scan3A_399 : i32 to index
        %get3A_417 = arith.constant 32 : index
        %get3A_418 = tpu.vector_load %arg6[%get3A_415, %get3A_416, %get3A_417] {strides = array<i32>} : memref<3x200x128xf32, #tpu.memory_space<vmem>>, vector<1x1x16xf32>,
        %get3A_419 = vector.shape_cast %get3A_418 : vector<1x1x16xf32> to vector<16xf32>
        %add3A_420 = arith.addf %add3A_390, %get3A_419 : vector<16xf32>
        %get3A_421 = arith.constant 1 : i32
        %get3A_422 = arith.index_cast %get3A_421 : i32 to index
        %get3A_423 = arith.index_cast %scan3A_399 : i32 to index
        %get3A_424 = arith.constant 48 : index
        %get3A_425 = tpu.vector_load %arg6[%get3A_422, %get3A_423, %get3A_424] {strides = array<i32>} : memref<3x200x128xf32, #tpu.memory_space<vmem>>, vector<1x1x16xf32>,
        %get3A_426 = vector.shape_cast %get3A_425 : vector<1x1x16xf32> to vector<16xf32>
        %add3A_427 = arith.addf %add3A_397, %get3A_426 : vector<16xf32>
        %scan3A_428 = arith.constant 2 : i32
        %scan3A_429 = arith.addi %scan3A_366, %scan3A_428 : i32
        %get3A_430 = arith.constant 1 : i32
        %get3A_431 = arith.index_cast %get3A_430 : i32 to index
        %get3A_432 = arith.index_cast %scan3A_429 : i32 to index
        %get3A_433 = arith.constant 0 : index
        %get3A_434 = tpu.vector_load %arg6[%get3A_431, %get3A_432, %get3A_433] {strides = array<i32>} : memref<3x200x128xf32, #tpu.memory_space<vmem>>, vector<1x1x16xf32>,
        %get3A_435 = vector.shape_cast %get3A_434 : vector<1x1x16xf32> to vector<16xf32>
        %add3A_436 = arith.addf %add3A_406, %get3A_435 : vector<16xf32>
        %get3A_437 = arith.constant 1 : i32
        %get3A_438 = arith.index_cast %get3A_437 : i32 to index
        %get3A_439 = arith.index_cast %scan3A_429 : i32 to index
        %get3A_440 = arith.constant 16 : index
        %get3A_441 = tpu.vector_load %arg6[%get3A_438, %get3A_439, %get3A_440] {strides = array<i32>} : memref<3x200x128xf32, #tpu.memory_space<vmem>>, vector<1x1x16xf32>,
        %get3A_442 = vector.shape_cast %get3A_441 : vector<1x1x16xf32> to vector<16xf32>
        %add3A_443 = arith.addf %add3A_413, %get3A_442 : vector<16xf32>
        %get3A_444 = arith.constant 1 : i32
        %get3A_445 = arith.index_cast %get3A_444 : i32 to index
        %get3A_446 = arith.index_cast %scan3A_429 : i32 to index
        %get3A_447 = arith.constant 32 : index
        %get3A_448 = tpu.vector_load %arg6[%get3A_445, %get3A_446, %get3A_447] {strides = array<i32>} : memref<3x200x128xf32, #tpu.memory_space<vmem>>, vector<1x1x16xf32>,
        %get3A_449 = vector.shape_cast %get3A_448 : vector<1x1x16xf32> to vector<16xf32>
        %add3A_450 = arith.addf %add3A_420, %get3A_449 : vector<16xf32>
        %get3A_451 = arith.constant 1 : i32
        %get3A_452 = arith.index_cast %get3A_451 : i32 to index
        %get3A_453 = arith.index_cast %scan3A_429 : i32 to index
        %get3A_454 = arith.constant 48 : index
        %get3A_455 = tpu.vector_load %arg6[%get3A_452, %get3A_453, %get3A_454] {strides = array<i32>} : memref<3x200x128xf32, #tpu.memory_space<vmem>>, vector<1x1x16xf32>,
        %get3A_456 = vector.shape_cast %get3A_455 : vector<1x1x16xf32> to vector<16xf32>
        %add3A_457 = arith.addf %add3A_427, %get3A_456 : vector<16xf32>
        %scan3A_458 = arith.constant 3 : i32
        %scan3A_459 = arith.addi %scan3A_366, %scan3A_458 : i32
        %get3A_460 = arith.constant 1 : i32
        %get3A_461 = arith.index_cast %get3A_460 : i32 to index
        %get3A_462 = arith.index_cast %scan3A_459 : i32 to index
        %get3A_463 = arith.constant 0 : index
        %get3A_464 = tpu.vector_load %arg6[%get3A_461, %get3A_462, %get3A_463] {strides = array<i32>} : memref<3x200x128xf32, #tpu.memory_space<vmem>>, vector<1x1x16xf32>,
        %get3A_465 = vector.shape_cast %get3A_464 : vector<1x1x16xf32> to vector<16xf32>
        %add3A_466 = arith.addf %add3A_436, %get3A_465 : vector<16xf32>
        %get3A_467 = arith.constant 1 : i32
        %get3A_468 = arith.index_cast %get3A_467 : i32 to index
        %get3A_469 = arith.index_cast %scan3A_459 : i32 to index
        %get3A_470 = arith.constant 16 : index
        %get3A_471 = tpu.vector_load %arg6[%get3A_468, %get3A_469, %get3A_470] {strides = array<i32>} : memref<3x200x128xf32, #tpu.memory_space<vmem>>, vector<1x1x16xf32>,
        %get3A_472 = vector.shape_cast %get3A_471 : vector<1x1x16xf32> to vector<16xf32>
        %add3A_473 = arith.addf %add3A_443, %get3A_472 : vector<16xf32>
        %get3A_474 = arith.constant 1 : i32
        %get3A_475 = arith.index_cast %get3A_474 : i32 to index
        %get3A_476 = arith.index_cast %scan3A_459 : i32 to index
        %get3A_477 = arith.constant 32 : index
        %get3A_478 = tpu.vector_load %arg6[%get3A_475, %get3A_476, %get3A_477] {strides = array<i32>} : memref<3x200x128xf32, #tpu.memory_space<vmem>>, vector<1x1x16xf32>,
        %get3A_479 = vector.shape_cast %get3A_478 : vector<1x1x16xf32> to vector<16xf32>
        %add3A_480 = arith.addf %add3A_450, %get3A_479 : vector<16xf32>
        %get3A_481 = arith.constant 1 : i32
        %get3A_482 = arith.index_cast %get3A_481 : i32 to index
        %get3A_483 = arith.index_cast %scan3A_459 : i32 to index
        %get3A_484 = arith.constant 48 : index
        %get3A_485 = tpu.vector_load %arg6[%get3A_482, %get3A_483, %get3A_484] {strides = array<i32>} : memref<3x200x128xf32, #tpu.memory_space<vmem>>, vector<1x1x16xf32>,
        %get3A_486 = vector.shape_cast %get3A_485 : vector<1x1x16xf32> to vector<16xf32>
        %add3A_487 = arith.addf %add3A_457, %get3A_486 : vector<16xf32>
        %scan3A_488 = arith.constant 4 : i32
        %scan3A_489 = arith.addi %scan3A_366, %scan3A_488 : i32
        %get3A_490 = arith.constant 1 : i32
        %get3A_491 = arith.index_cast %get3A_490 : i32 to index
        %get3A_492 = arith.index_cast %scan3A_489 : i32 to index
        %get3A_493 = arith.constant 0 : index
        %get3A_494 = tpu.vector_load %arg6[%get3A_491, %get3A_492, %get3A_493] {strides = array<i32>} : memref<3x200x128xf32, #tpu.memory_space<vmem>>, vector<1x1x16xf32>,
        %get3A_495 = vector.shape_cast %get3A_494 : vector<1x1x16xf32> to vector<16xf32>
        %add3A_496 = arith.addf %add3A_466, %get3A_495 : vector<16xf32>
        %get3A_497 = arith.constant 1 : i32
        %get3A_498 = arith.index_cast %get3A_497 : i32 to index
        %get3A_499 = arith.index_cast %scan3A_489 : i32 to index
        %get3A_500 = arith.constant 16 : index
        %get3A_501 = tpu.vector_load %arg6[%get3A_498, %get3A_499, %get3A_500] {strides = array<i32>} : memref<3x200x128xf32, #tpu.memory_space<vmem>>, vector<1x1x16xf32>,
        %get3A_502 = vector.shape_cast %get3A_501 : vector<1x1x16xf32> to vector<16xf32>
        %add3A_503 = arith.addf %add3A_473, %get3A_502 : vector<16xf32>
        %get3A_504 = arith.constant 1 : i32
        %get3A_505 = arith.index_cast %get3A_504 : i32 to index
        %get3A_506 = arith.index_cast %scan3A_489 : i32 to index
        %get3A_507 = arith.constant 32 : index
        %get3A_508 = tpu.vector_load %arg6[%get3A_505, %get3A_506, %get3A_507] {strides = array<i32>} : memref<3x200x128xf32, #tpu.memory_space<vmem>>, vector<1x1x16xf32>,
        %get3A_509 = vector.shape_cast %get3A_508 : vector<1x1x16xf32> to vector<16xf32>
        %add3A_510 = arith.addf %add3A_480, %get3A_509 : vector<16xf32>
        %get3A_511 = arith.constant 1 : i32
        %get3A_512 = arith.index_cast %get3A_511 : i32 to index
        %get3A_513 = arith.index_cast %scan3A_489 : i32 to index
        %get3A_514 = arith.constant 48 : index
        %get3A_515 = tpu.vector_load %arg6[%get3A_512, %get3A_513, %get3A_514] {strides = array<i32>} : memref<3x200x128xf32, #tpu.memory_space<vmem>>, vector<1x1x16xf32>,
        %get3A_516 = vector.shape_cast %get3A_515 : vector<1x1x16xf32> to vector<16xf32>
        %add3A_517 = arith.addf %add3A_487, %get3A_516 : vector<16xf32>
        %scan3A_518 = arith.constant 5 : i32
        %scan3A_519 = arith.addi %scan3A_366, %scan3A_518 : i32
        %get3A_520 = arith.constant 1 : i32
        %get3A_521 = arith.index_cast %get3A_520 : i32 to index
        %get3A_522 = arith.index_cast %scan3A_519 : i32 to index
        %get3A_523 = arith.constant 0 : index
        %get3A_524 = tpu.vector_load %arg6[%get3A_521, %get3A_522, %get3A_523] {strides = array<i32>} : memref<3x200x128xf32, #tpu.memory_space<vmem>>, vector<1x1x16xf32>,
        %get3A_525 = vector.shape_cast %get3A_524 : vector<1x1x16xf32> to vector<16xf32>
        %add3A_526 = arith.addf %add3A_496, %get3A_525 : vector<16xf32>
        %get3A_527 = arith.constant 1 : i32
        %get3A_528 = arith.index_cast %get3A_527 : i32 to index
        %get3A_529 = arith.index_cast %scan3A_519 : i32 to index
        %get3A_530 = arith.constant 16 : index
        %get3A_531 = tpu.vector_load %arg6[%get3A_528, %get3A_529, %get3A_530] {strides = array<i32>} : memref<3x200x128xf32, #tpu.memory_space<vmem>>, vector<1x1x16xf32>,
        %get3A_532 = vector.shape_cast %get3A_531 : vector<1x1x16xf32> to vector<16xf32>
        %add3A_533 = arith.addf %add3A_503, %get3A_532 : vector<16xf32>
        %get3A_534 = arith.constant 1 : i32
        %get3A_535 = arith.index_cast %get3A_534 : i32 to index
        %get3A_536 = arith.index_cast %scan3A_519 : i32 to index
        %get3A_537 = arith.constant 32 : index
        %get3A_538 = tpu.vector_load %arg6[%get3A_535, %get3A_536, %get3A_537] {strides = array<i32>} : memref<3x200x128xf32, #tpu.memory_space<vmem>>, vector<1x1x16xf32>,
        %get3A_539 = vector.shape_cast %get3A_538 : vector<1x1x16xf32> to vector<16xf32>
        %add3A_540 = arith.addf %add3A_510, %get3A_539 : vector<16xf32>
        %get3A_541 = arith.constant 1 : i32
        %get3A_542 = arith.index_cast %get3A_541 : i32 to index
        %get3A_543 = arith.index_cast %scan3A_519 : i32 to index
        %get3A_544 = arith.constant 48 : index
        %get3A_545 = tpu.vector_load %arg6[%get3A_542, %get3A_543, %get3A_544] {strides = array<i32>} : memref<3x200x128xf32, #tpu.memory_space<vmem>>, vector<1x1x16xf32>,
        %get3A_546 = vector.shape_cast %get3A_545 : vector<1x1x16xf32> to vector<16xf32>
        %add3A_547 = arith.addf %add3A_517, %get3A_546 : vector<16xf32>
        %scan3A_548 = arith.constant 6 : i32
        %scan3A_549 = arith.addi %scan3A_366, %scan3A_548 : i32
        %get3A_550 = arith.constant 1 : i32
        %get3A_551 = arith.index_cast %get3A_550 : i32 to index
        %get3A_552 = arith.index_cast %scan3A_549 : i32 to index
        %get3A_553 = arith.constant 0 : index
        %get3A_554 = tpu.vector_load %arg6[%get3A_551, %get3A_552, %get3A_553] {strides = array<i32>} : memref<3x200x128xf32, #tpu.memory_space<vmem>>, vector<1x1x16xf32>,
        %get3A_555 = vector.shape_cast %get3A_554 : vector<1x1x16xf32> to vector<16xf32>
        %add3A_556 = arith.addf %add3A_526, %get3A_555 : vector<16xf32>
        %get3A_557 = arith.constant 1 : i32
        %get3A_558 = arith.index_cast %get3A_557 : i32 to index
        %get3A_559 = arith.index_cast %scan3A_549 : i32 to index
        %get3A_560 = arith.constant 16 : index
        %get3A_561 = tpu.vector_load %arg6[%get3A_558, %get3A_559, %get3A_560] {strides = array<i32>} : memref<3x200x128xf32, #tpu.memory_space<vmem>>, vector<1x1x16xf32>,
        %get3A_562 = vector.shape_cast %get3A_561 : vector<1x1x16xf32> to vector<16xf32>
        %add3A_563 = arith.addf %add3A_533, %get3A_562 : vector<16xf32>
        %get3A_564 = arith.constant 1 : i32
        %get3A_565 = arith.index_cast %get3A_564 : i32 to index
        %get3A_566 = arith.index_cast %scan3A_549 : i32 to index
        %get3A_567 = arith.constant 32 : index
        %get3A_568 = tpu.vector_load %arg6[%get3A_565, %get3A_566, %get3A_567] {strides = array<i32>} : memref<3x200x128xf32, #tpu.memory_space<vmem>>, vector<1x1x16xf32>,
        %get3A_569 = vector.shape_cast %get3A_568 : vector<1x1x16xf32> to vector<16xf32>
        %add3A_570 = arith.addf %add3A_540, %get3A_569 : vector<16xf32>
        %get3A_571 = arith.constant 1 : i32
        %get3A_572 = arith.index_cast %get3A_571 : i32 to index
        %get3A_573 = arith.index_cast %scan3A_549 : i32 to index
        %get3A_574 = arith.constant 48 : index
        %get3A_575 = tpu.vector_load %arg6[%get3A_572, %get3A_573, %get3A_574] {strides = array<i32>} : memref<3x200x128xf32, #tpu.memory_space<vmem>>, vector<1x1x16xf32>,
        %get3A_576 = vector.shape_cast %get3A_575 : vector<1x1x16xf32> to vector<16xf32>
        %add3A_577 = arith.addf %add3A_547, %get3A_576 : vector<16xf32>
        %scan3A_578 = arith.constant 7 : i32
        %scan3A_579 = arith.addi %scan3A_366, %scan3A_578 : i32
        %get3A_580 = arith.constant 1 : i32
        %get3A_581 = arith.index_cast %get3A_580 : i32 to index
        %get3A_582 = arith.index_cast %scan3A_579 : i32 to index
        %get3A_583 = arith.constant 0 : index
        %get3A_584 = tpu.vector_load %arg6[%get3A_581, %get3A_582, %get3A_583] {strides = array<i32>} : memref<3x200x128xf32, #tpu.memory_space<vmem>>, vector<1x1x16xf32>,
        %get3A_585 = vector.shape_cast %get3A_584 : vector<1x1x16xf32> to vector<16xf32>
        %add3A_586 = arith.addf %add3A_556, %get3A_585 : vector<16xf32>
        %get3A_587 = arith.constant 1 : i32
        %get3A_588 = arith.index_cast %get3A_587 : i32 to index
        %get3A_589 = arith.index_cast %scan3A_579 : i32 to index
        %get3A_590 = arith.constant 16 : index
        %get3A_591 = tpu.vector_load %arg6[%get3A_588, %get3A_589, %get3A_590] {strides = array<i32>} : memref<3x200x128xf32, #tpu.memory_space<vmem>>, vector<1x1x16xf32>,
        %get3A_592 = vector.shape_cast %get3A_591 : vector<1x1x16xf32> to vector<16xf32>
        %add3A_593 = arith.addf %add3A_563, %get3A_592 : vector<16xf32>
        %get3A_594 = arith.constant 1 : i32
        %get3A_595 = arith.index_cast %get3A_594 : i32 to index
        %get3A_596 = arith.index_cast %scan3A_579 : i32 to index
        %get3A_597 = arith.constant 32 : index
        %get3A_598 = tpu.vector_load %arg6[%get3A_595, %get3A_596, %get3A_597] {strides = array<i32>} : memref<3x200x128xf32, #tpu.memory_space<vmem>>, vector<1x1x16xf32>,
        %get3A_599 = vector.shape_cast %get3A_598 : vector<1x1x16xf32> to vector<16xf32>
        %add3A_600 = arith.addf %add3A_570, %get3A_599 : vector<16xf32>
        %get3A_601 = arith.constant 1 : i32
        %get3A_602 = arith.index_cast %get3A_601 : i32 to index
        %get3A_603 = arith.index_cast %scan3A_579 : i32 to index
        %get3A_604 = arith.constant 48 : index
        %get3A_605 = tpu.vector_load %arg6[%get3A_602, %get3A_603, %get3A_604] {strides = array<i32>} : memref<3x200x128xf32, #tpu.memory_space<vmem>>, vector<1x1x16xf32>,
        %get3A_606 = vector.shape_cast %get3A_605 : vector<1x1x16xf32> to vector<16xf32>
        %add3A_607 = arith.addf %add3A_577, %get3A_606 : vector<16xf32>
        scf.yield %add3A_586, %add3A_593, %add3A_600, %add3A_607 : vector<16xf32>, vector<16xf32>, vector<16xf32>, vector<16xf32>
      }
      %scan3A_257 = arith.constant 200 : i32
      %mul3A_258 = arith.constant 64 : i32
      %mul3A_259 = arith.muli %add3A_229, %mul3A_258 : i32
      %add3A_260 = arith.constant 0 : i32
      %add3A_261 = arith.addi %mul3A_259, %add3A_260 : i32
      %swap3A_262 = arith.index_cast %add3A_261 : i32 to index
      %swap3A_263 = tpu.vector_load %arg7[%swap3A_262] {strides = array<i32>} : memref<8192xf32, #tpu.memory_space<vmem>>, vector<16xf32>,
      %swap3A_264 = vector.shape_cast %swap3A_263 : vector<16xf32> to vector<16xf32>
      %swap3A_265 = vector.shape_cast %scan3A_256#0 : vector<16xf32> to vector<16xf32>
      tpu.vector_store %arg7[%swap3A_262], %swap3A_265 {strides = array<i32>} : memref<8192xf32, #tpu.memory_space<vmem>>, vector<16xf32>,
      %mul3A_266 = arith.constant 64 : i32
      %mul3A_267 = arith.muli %add3A_229, %mul3A_266 : i32
      %add3A_268 = arith.constant 16 : i32
      %add3A_269 = arith.addi %mul3A_267, %add3A_268 : i32
      %swap3A_270 = arith.index_cast %add3A_269 : i32 to index
      %swap3A_271 = tpu.vector_load %arg7[%swap3A_270] {strides = array<i32>} : memref<8192xf32, #tpu.memory_space<vmem>>, vector<16xf32>,
      %swap3A_272 = vector.shape_cast %swap3A_271 : vector<16xf32> to vector<16xf32>
      %swap3A_273 = vector.shape_cast %scan3A_256#1 : vector<16xf32> to vector<16xf32>
      tpu.vector_store %arg7[%swap3A_270], %swap3A_273 {strides = array<i32>} : memref<8192xf32, #tpu.memory_space<vmem>>, vector<16xf32>,
      %mul3A_274 = arith.constant 64 : i32
      %mul3A_275 = arith.muli %add3A_229, %mul3A_274 : i32
      %add3A_276 = arith.constant 32 : i32
      %add3A_277 = arith.addi %mul3A_275, %add3A_276 : i32
      %swap3A_278 = arith.index_cast %add3A_277 : i32 to index
      %swap3A_279 = tpu.vector_load %arg7[%swap3A_278] {strides = array<i32>} : memref<8192xf32, #tpu.memory_space<vmem>>, vector<16xf32>,
      %swap3A_280 = vector.shape_cast %swap3A_279 : vector<16xf32> to vector<16xf32>
      %swap3A_281 = vector.shape_cast %scan3A_256#2 : vector<16xf32> to vector<16xf32>
      tpu.vector_store %arg7[%swap3A_278], %swap3A_281 {strides = array<i32>} : memref<8192xf32, #tpu.memory_space<vmem>>, vector<16xf32>,
      %mul3A_282 = arith.constant 64 : i32
      %mul3A_283 = arith.muli %add3A_229, %mul3A_282 : i32
      %add3A_284 = arith.constant 48 : i32
      %add3A_285 = arith.addi %mul3A_283, %add3A_284 : i32
      %swap3A_286 = arith.index_cast %add3A_285 : i32 to index
      %swap3A_287 = tpu.vector_load %arg7[%swap3A_286] {strides = array<i32>} : memref<8192xf32, #tpu.memory_space<vmem>>, vector<16xf32>,
      %swap3A_288 = vector.shape_cast %swap3A_287 : vector<16xf32> to vector<16xf32>
      %swap3A_289 = vector.shape_cast %scan3A_256#3 : vector<16xf32> to vector<16xf32>
      tpu.vector_store %arg7[%swap3A_286], %swap3A_289 {strides = array<i32>} : memref<8192xf32, #tpu.memory_space<vmem>>, vector<16xf32>,
      %add3A_290 = arith.constant 3 : i32
      %add3A_291 = arith.addi %add3A_229, %add3A_290 : i32
      %lt3A_292 = arith.constant 128 : i32
      %lt3A_293 = arith.cmpi slt, %add3A_291, %lt3A_292 : i32
      %convert_element_type3A_294 = arith.extui %lt3A_293 : i1 to i32
      %cond3A_295 = arith.constant 0 : i32
      %cond3A_296 = arith.cmpi ne, %convert_element_type3A_294, %cond3A_295 : i32
      scf.if %cond3A_296 {
        %add3A_366 = arith.constant 3 : i32
        %add3A_367 = arith.addi %add3A_229, %add3A_366 : i32
        %mul3A_368 = arith.constant 200 : i32
        %mul3A_369 = arith.muli %add3A_367, %mul3A_368 : i32
        %multiple_of3A_370 = tpu.assume_multiple %mul3A_369, 8 : i32
        %dma_start3A_371 = arith.constant 1 : i32
        %dma_start3A_372 = arith.constant 0 : i32
        %dma_start3A_373 = arith.constant 0 : i32
        %dma_start3A_374 = tpu.memref_slice %arg6[%dma_start3A_371, %dma_start3A_372, %dma_start3A_373] : memref<3x200x128xf32, #tpu.memory_space<vmem>> -> memref<1x104x128xf32, #tpu.memory_space<vmem>>
        %dma_start3A_375 = tpu.memref_squeeze %dma_start3A_374 : memref<1x104x128xf32, #tpu.memory_space<vmem>> -> memref<104x128xf32, #tpu.memory_space<vmem>>
        %dma_start3A_376 = tpu.memref_slice %arg5[%multiple_of3A_370] : memref<25600xi32, #tpu.memory_space<vmem>> -> memref<104xi32, #tpu.memory_space<vmem>>
        %dma_start3A_377 = arith.constant 0 : i32
        %dma_start3A_378 = arith.constant 0 : i32
        %dma_start3A_379 = tpu.memref_slice %arg3[%dma_start3A_377, %dma_start3A_378] : memref<1000000x128xf32, #tpu.memory_space<hbm>> -> memref<1000000x128xf32, #tpu.memory_space<hbm>>
        tpu.enqueue_indirect_dma source(%dma_start3A_379 : memref<1000000x128xf32, #tpu.memory_space<hbm>>) target(%dma_start3A_375 : memref<104x128xf32, #tpu.memory_space<vmem>>) offsets(%dma_start3A_376 : memref<104xi32, #tpu.memory_space<vmem>>) semaphore(%arg9 : memref<!tpu.dma_semaphore, #tpu.memory_space<semaphore_mem>>)
        %add3A_380 = arith.constant 104 : i32
        %add3A_381 = arith.addi %multiple_of3A_370, %add3A_380 : i32
        %dma_start3A_382 = arith.constant 1 : i32
        %dma_start3A_383 = arith.constant 104 : i32
        %dma_start3A_384 = arith.constant 0 : i32
        %dma_start3A_385 = tpu.memref_slice %arg6[%dma_start3A_382, %dma_start3A_383, %dma_start3A_384] : memref<3x200x128xf32, #tpu.memory_space<vmem>> -> memref<1x96x128xf32, #tpu.memory_space<vmem>>
        %dma_start3A_386 = tpu.memref_squeeze %dma_start3A_385 : memref<1x96x128xf32, #tpu.memory_space<vmem>> -> memref<96x128xf32, #tpu.memory_space<vmem>>
        %dma_start3A_387 = tpu.memref_slice %arg5[%add3A_381] : memref<25600xi32, #tpu.memory_space<vmem>> -> memref<96xi32, #tpu.memory_space<vmem>>
        %dma_start3A_388 = arith.constant 0 : i32
        %dma_start3A_389 = arith.constant 0 : i32
        %dma_start3A_390 = tpu.memref_slice %arg3[%dma_start3A_388, %dma_start3A_389] : memref<1000000x128xf32, #tpu.memory_space<hbm>> -> memref<1000000x128xf32, #tpu.memory_space<hbm>>
        tpu.enqueue_indirect_dma source(%dma_start3A_390 : memref<1000000x128xf32, #tpu.memory_space<hbm>>) target(%dma_start3A_386 : memref<96x128xf32, #tpu.memory_space<vmem>>) offsets(%dma_start3A_387 : memref<96xi32, #tpu.memory_space<vmem>>) semaphore(%arg9 : memref<!tpu.dma_semaphore, #tpu.memory_space<semaphore_mem>>)
      } else {
      }
      %add3A_297 = arith.constant 2 : i32
      %add3A_298 = arith.addi %mul3A_161, %add3A_297 : i32
      %dma_wait3A_299 = arith.constant 2 : i32
      %dma_wait3A_300 = arith.constant 0 : i32
      %dma_wait3A_301 = arith.constant 0 : i32
      %dma_wait3A_302 = tpu.memref_slice %arg6[%dma_wait3A_299, %dma_wait3A_300, %dma_wait3A_301] : memref<3x200x128xf32, #tpu.memory_space<vmem>> -> memref<1x104x128xf32, #tpu.memory_space<vmem>>
      %dma_wait3A_303 = tpu.memref_squeeze %dma_wait3A_302 : memref<1x104x128xf32, #tpu.memory_space<vmem>> -> memref<104x128xf32, #tpu.memory_space<vmem>>
      %dma_wait3A_304 = arith.constant 0 : i32
      %dma_wait3A_305 = tpu.memref_slice %arg5[%dma_wait3A_304] : memref<25600xi32, #tpu.memory_space<vmem>> -> memref<104xi32, #tpu.memory_space<vmem>>
      %dma_wait3A_306 = arith.constant 0 : i32
      %dma_wait3A_307 = arith.constant 0 : i32
      %dma_wait3A_308 = tpu.memref_slice %arg3[%dma_wait3A_306, %dma_wait3A_307] : memref<1000000x128xf32, #tpu.memory_space<hbm>> -> memref<1000000x128xf32, #tpu.memory_space<hbm>>
      tpu.wait_indirect_dma semaphore(%arg10 : memref<!tpu.dma_semaphore, #tpu.memory_space<semaphore_mem>>) src(%dma_wait3A_308 : memref<1000000x128xf32, #tpu.memory_space<hbm>>) dst(%dma_wait3A_303 : memref<104x128xf32, #tpu.memory_space<vmem>>)
      %dma_wait3A_309 = arith.constant 2 : i32
      %dma_wait3A_310 = arith.constant 104 : i32
      %dma_wait3A_311 = arith.constant 0 : i32
      %dma_wait3A_312 = tpu.memref_slice %arg6[%dma_wait3A_309, %dma_wait3A_310, %dma_wait3A_311] : memref<3x200x128xf32, #tpu.memory_space<vmem>> -> memref<1x96x128xf32, #tpu.memory_space<vmem>>
      %dma_wait3A_313 = tpu.memref_squeeze %dma_wait3A_312 : memref<1x96x128xf32, #tpu.memory_space<vmem>> -> memref<96x128xf32, #tpu.memory_space<vmem>>
      %dma_wait3A_314 = arith.constant 0 : i32
      %dma_wait3A_315 = tpu.memref_slice %arg5[%dma_wait3A_314] : memref<25600xi32, #tpu.memory_space<vmem>> -> memref<96xi32, #tpu.memory_space<vmem>>
      %dma_wait3A_316 = arith.constant 0 : i32
      %dma_wait3A_317 = arith.constant 0 : i32
      %dma_wait3A_318 = tpu.memref_slice %arg3[%dma_wait3A_316, %dma_wait3A_317] : memref<1000000x128xf32, #tpu.memory_space<hbm>> -> memref<1000000x128xf32, #tpu.memory_space<hbm>>
      tpu.wait_indirect_dma semaphore(%arg10 : memref<!tpu.dma_semaphore, #tpu.memory_space<semaphore_mem>>) src(%dma_wait3A_318 : memref<1000000x128xf32, #tpu.memory_space<hbm>>) dst(%dma_wait3A_313 : memref<96x128xf32, #tpu.memory_space<vmem>>)
      %broadcast_in_dim3A_319 = arith.constant 0.000000e+00 : f32
      %broadcast_in_dim3A_320 = vector.broadcast %broadcast_in_dim3A_319 : f32 to vector<16xf32>
      %scan3A_321 = arith.constant 0 : i32
      %scan3A_322 = arith.constant 200 : i32
      %scan3A_323 = arith.addi %scan3A_321, %scan3A_322 : i32
      %scan3A_324 = arith.constant 8 : i32
      %scan3A_325:4 = scf.for %scan3A_366 = %scan3A_321 to %scan3A_323 step %scan3A_324 iter_args(%scan3A_367 = %broadcast_in_dim3A_320, %scan3A_368 = %broadcast_in_dim3A_320, %scan3A_369 = %broadcast_in_dim3A_320, %scan3A_370 = %broadcast_in_dim3A_320) -> (vector<16xf32>, vector<16xf32>, vector<16xf32>, vector<16xf32>)  : i32 {
        %get3A = arith.constant 2 : i32
        %get3A_371 = arith.index_cast %get3A : i32 to index
        %get3A_372 = arith.index_cast %scan3A_366 : i32 to index
        %get3A_373 = arith.constant 0 : index
        %get3A_374 = tpu.vector_load %arg6[%get3A_371, %get3A_372, %get3A_373] {strides = array<i32>} : memref<3x200x128xf32, #tpu.memory_space<vmem>>, vector<1x1x16xf32>,
        %get3A_375 = vector.shape_cast %get3A_374 : vector<1x1x16xf32> to vector<16xf32>
        %add3A_376 = arith.addf %scan3A_367, %get3A_375 : vector<16xf32>
        %get3A_377 = arith.constant 2 : i32
        %get3A_378 = arith.index_cast %get3A_377 : i32 to index
        %get3A_379 = arith.index_cast %scan3A_366 : i32 to index
        %get3A_380 = arith.constant 16 : index
        %get3A_381 = tpu.vector_load %arg6[%get3A_378, %get3A_379, %get3A_380] {strides = array<i32>} : memref<3x200x128xf32, #tpu.memory_space<vmem>>, vector<1x1x16xf32>,
        %get3A_382 = vector.shape_cast %get3A_381 : vector<1x1x16xf32> to vector<16xf32>
        %add3A_383 = arith.addf %scan3A_368, %get3A_382 : vector<16xf32>
        %get3A_384 = arith.constant 2 : i32
        %get3A_385 = arith.index_cast %get3A_384 : i32 to index
        %get3A_386 = arith.index_cast %scan3A_366 : i32 to index
        %get3A_387 = arith.constant 32 : index
        %get3A_388 = tpu.vector_load %arg6[%get3A_385, %get3A_386, %get3A_387] {strides = array<i32>} : memref<3x200x128xf32, #tpu.memory_space<vmem>>, vector<1x1x16xf32>,
        %get3A_389 = vector.shape_cast %get3A_388 : vector<1x1x16xf32> to vector<16xf32>
        %add3A_390 = arith.addf %scan3A_369, %get3A_389 : vector<16xf32>
        %get3A_391 = arith.constant 2 : i32
        %get3A_392 = arith.index_cast %get3A_391 : i32 to index
        %get3A_393 = arith.index_cast %scan3A_366 : i32 to index
        %get3A_394 = arith.constant 48 : index
        %get3A_395 = tpu.vector_load %arg6[%get3A_392, %get3A_393, %get3A_394] {strides = array<i32>} : memref<3x200x128xf32, #tpu.memory_space<vmem>>, vector<1x1x16xf32>,
        %get3A_396 = vector.shape_cast %get3A_395 : vector<1x1x16xf32> to vector<16xf32>
        %add3A_397 = arith.addf %scan3A_370, %get3A_396 : vector<16xf32>
        %scan3A_398 = arith.constant 1 : i32
        %scan3A_399 = arith.addi %scan3A_366, %scan3A_398 : i32
        %get3A_400 = arith.constant 2 : i32
        %get3A_401 = arith.index_cast %get3A_400 : i32 to index
        %get3A_402 = arith.index_cast %scan3A_399 : i32 to index
        %get3A_403 = arith.constant 0 : index
        %get3A_404 = tpu.vector_load %arg6[%get3A_401, %get3A_402, %get3A_403] {strides = array<i32>} : memref<3x200x128xf32, #tpu.memory_space<vmem>>, vector<1x1x16xf32>,
        %get3A_405 = vector.shape_cast %get3A_404 : vector<1x1x16xf32> to vector<16xf32>
        %add3A_406 = arith.addf %add3A_376, %get3A_405 : vector<16xf32>
        %get3A_407 = arith.constant 2 : i32
        %get3A_408 = arith.index_cast %get3A_407 : i32 to index
        %get3A_409 = arith.index_cast %scan3A_399 : i32 to index
        %get3A_410 = arith.constant 16 : index
        %get3A_411 = tpu.vector_load %arg6[%get3A_408, %get3A_409, %get3A_410] {strides = array<i32>} : memref<3x200x128xf32, #tpu.memory_space<vmem>>, vector<1x1x16xf32>,
        %get3A_412 = vector.shape_cast %get3A_411 : vector<1x1x16xf32> to vector<16xf32>
        %add3A_413 = arith.addf %add3A_383, %get3A_412 : vector<16xf32>
        %get3A_414 = arith.constant 2 : i32
        %get3A_415 = arith.index_cast %get3A_414 : i32 to index
        %get3A_416 = arith.index_cast %scan3A_399 : i32 to index
        %get3A_417 = arith.constant 32 : index
        %get3A_418 = tpu.vector_load %arg6[%get3A_415, %get3A_416, %get3A_417] {strides = array<i32>} : memref<3x200x128xf32, #tpu.memory_space<vmem>>, vector<1x1x16xf32>,
        %get3A_419 = vector.shape_cast %get3A_418 : vector<1x1x16xf32> to vector<16xf32>
        %add3A_420 = arith.addf %add3A_390, %get3A_419 : vector<16xf32>
        %get3A_421 = arith.constant 2 : i32
        %get3A_422 = arith.index_cast %get3A_421 : i32 to index
        %get3A_423 = arith.index_cast %scan3A_399 : i32 to index
        %get3A_424 = arith.constant 48 : index
        %get3A_425 = tpu.vector_load %arg6[%get3A_422, %get3A_423, %get3A_424] {strides = array<i32>} : memref<3x200x128xf32, #tpu.memory_space<vmem>>, vector<1x1x16xf32>,
        %get3A_426 = vector.shape_cast %get3A_425 : vector<1x1x16xf32> to vector<16xf32>
        %add3A_427 = arith.addf %add3A_397, %get3A_426 : vector<16xf32>
        %scan3A_428 = arith.constant 2 : i32
        %scan3A_429 = arith.addi %scan3A_366, %scan3A_428 : i32
        %get3A_430 = arith.constant 2 : i32
        %get3A_431 = arith.index_cast %get3A_430 : i32 to index
        %get3A_432 = arith.index_cast %scan3A_429 : i32 to index
        %get3A_433 = arith.constant 0 : index
        %get3A_434 = tpu.vector_load %arg6[%get3A_431, %get3A_432, %get3A_433] {strides = array<i32>} : memref<3x200x128xf32, #tpu.memory_space<vmem>>, vector<1x1x16xf32>,
        %get3A_435 = vector.shape_cast %get3A_434 : vector<1x1x16xf32> to vector<16xf32>
        %add3A_436 = arith.addf %add3A_406, %get3A_435 : vector<16xf32>
        %get3A_437 = arith.constant 2 : i32
        %get3A_438 = arith.index_cast %get3A_437 : i32 to index
        %get3A_439 = arith.index_cast %scan3A_429 : i32 to index
        %get3A_440 = arith.constant 16 : index
        %get3A_441 = tpu.vector_load %arg6[%get3A_438, %get3A_439, %get3A_440] {strides = array<i32>} : memref<3x200x128xf32, #tpu.memory_space<vmem>>, vector<1x1x16xf32>,
        %get3A_442 = vector.shape_cast %get3A_441 : vector<1x1x16xf32> to vector<16xf32>
        %add3A_443 = arith.addf %add3A_413, %get3A_442 : vector<16xf32>
        %get3A_444 = arith.constant 2 : i32
        %get3A_445 = arith.index_cast %get3A_444 : i32 to index
        %get3A_446 = arith.index_cast %scan3A_429 : i32 to index
        %get3A_447 = arith.constant 32 : index
        %get3A_448 = tpu.vector_load %arg6[%get3A_445, %get3A_446, %get3A_447] {strides = array<i32>} : memref<3x200x128xf32, #tpu.memory_space<vmem>>, vector<1x1x16xf32>,
        %get3A_449 = vector.shape_cast %get3A_448 : vector<1x1x16xf32> to vector<16xf32>
        %add3A_450 = arith.addf %add3A_420, %get3A_449 : vector<16xf32>
        %get3A_451 = arith.constant 2 : i32
        %get3A_452 = arith.index_cast %get3A_451 : i32 to index
        %get3A_453 = arith.index_cast %scan3A_429 : i32 to index
        %get3A_454 = arith.constant 48 : index
        %get3A_455 = tpu.vector_load %arg6[%get3A_452, %get3A_453, %get3A_454] {strides = array<i32>} : memref<3x200x128xf32, #tpu.memory_space<vmem>>, vector<1x1x16xf32>,
        %get3A_456 = vector.shape_cast %get3A_455 : vector<1x1x16xf32> to vector<16xf32>
        %add3A_457 = arith.addf %add3A_427, %get3A_456 : vector<16xf32>
        %scan3A_458 = arith.constant 3 : i32
        %scan3A_459 = arith.addi %scan3A_366, %scan3A_458 : i32
        %get3A_460 = arith.constant 2 : i32
        %get3A_461 = arith.index_cast %get3A_460 : i32 to index
        %get3A_462 = arith.index_cast %scan3A_459 : i32 to index
        %get3A_463 = arith.constant 0 : index
        %get3A_464 = tpu.vector_load %arg6[%get3A_461, %get3A_462, %get3A_463] {strides = array<i32>} : memref<3x200x128xf32, #tpu.memory_space<vmem>>, vector<1x1x16xf32>,
        %get3A_465 = vector.shape_cast %get3A_464 : vector<1x1x16xf32> to vector<16xf32>
        %add3A_466 = arith.addf %add3A_436, %get3A_465 : vector<16xf32>
        %get3A_467 = arith.constant 2 : i32
        %get3A_468 = arith.index_cast %get3A_467 : i32 to index
        %get3A_469 = arith.index_cast %scan3A_459 : i32 to index
        %get3A_470 = arith.constant 16 : index
        %get3A_471 = tpu.vector_load %arg6[%get3A_468, %get3A_469, %get3A_470] {strides = array<i32>} : memref<3x200x128xf32, #tpu.memory_space<vmem>>, vector<1x1x16xf32>,
        %get3A_472 = vector.shape_cast %get3A_471 : vector<1x1x16xf32> to vector<16xf32>
        %add3A_473 = arith.addf %add3A_443, %get3A_472 : vector<16xf32>
        %get3A_474 = arith.constant 2 : i32
        %get3A_475 = arith.index_cast %get3A_474 : i32 to index
        %get3A_476 = arith.index_cast %scan3A_459 : i32 to index
        %get3A_477 = arith.constant 32 : index
        %get3A_478 = tpu.vector_load %arg6[%get3A_475, %get3A_476, %get3A_477] {strides = array<i32>} : memref<3x200x128xf32, #tpu.memory_space<vmem>>, vector<1x1x16xf32>,
        %get3A_479 = vector.shape_cast %get3A_478 : vector<1x1x16xf32> to vector<16xf32>
        %add3A_480 = arith.addf %add3A_450, %get3A_479 : vector<16xf32>
        %get3A_481 = arith.constant 2 : i32
        %get3A_482 = arith.index_cast %get3A_481 : i32 to index
        %get3A_483 = arith.index_cast %scan3A_459 : i32 to index
        %get3A_484 = arith.constant 48 : index
        %get3A_485 = tpu.vector_load %arg6[%get3A_482, %get3A_483, %get3A_484] {strides = array<i32>} : memref<3x200x128xf32, #tpu.memory_space<vmem>>, vector<1x1x16xf32>,
        %get3A_486 = vector.shape_cast %get3A_485 : vector<1x1x16xf32> to vector<16xf32>
        %add3A_487 = arith.addf %add3A_457, %get3A_486 : vector<16xf32>
        %scan3A_488 = arith.constant 4 : i32
        %scan3A_489 = arith.addi %scan3A_366, %scan3A_488 : i32
        %get3A_490 = arith.constant 2 : i32
        %get3A_491 = arith.index_cast %get3A_490 : i32 to index
        %get3A_492 = arith.index_cast %scan3A_489 : i32 to index
        %get3A_493 = arith.constant 0 : index
        %get3A_494 = tpu.vector_load %arg6[%get3A_491, %get3A_492, %get3A_493] {strides = array<i32>} : memref<3x200x128xf32, #tpu.memory_space<vmem>>, vector<1x1x16xf32>,
        %get3A_495 = vector.shape_cast %get3A_494 : vector<1x1x16xf32> to vector<16xf32>
        %add3A_496 = arith.addf %add3A_466, %get3A_495 : vector<16xf32>
        %get3A_497 = arith.constant 2 : i32
        %get3A_498 = arith.index_cast %get3A_497 : i32 to index
        %get3A_499 = arith.index_cast %scan3A_489 : i32 to index
        %get3A_500 = arith.constant 16 : index
        %get3A_501 = tpu.vector_load %arg6[%get3A_498, %get3A_499, %get3A_500] {strides = array<i32>} : memref<3x200x128xf32, #tpu.memory_space<vmem>>, vector<1x1x16xf32>,
        %get3A_502 = vector.shape_cast %get3A_501 : vector<1x1x16xf32> to vector<16xf32>
        %add3A_503 = arith.addf %add3A_473, %get3A_502 : vector<16xf32>
        %get3A_504 = arith.constant 2 : i32
        %get3A_505 = arith.index_cast %get3A_504 : i32 to index
        %get3A_506 = arith.index_cast %scan3A_489 : i32 to index
        %get3A_507 = arith.constant 32 : index
        %get3A_508 = tpu.vector_load %arg6[%get3A_505, %get3A_506, %get3A_507] {strides = array<i32>} : memref<3x200x128xf32, #tpu.memory_space<vmem>>, vector<1x1x16xf32>,
        %get3A_509 = vector.shape_cast %get3A_508 : vector<1x1x16xf32> to vector<16xf32>
        %add3A_510 = arith.addf %add3A_480, %get3A_509 : vector<16xf32>
        %get3A_511 = arith.constant 2 : i32
        %get3A_512 = arith.index_cast %get3A_511 : i32 to index
        %get3A_513 = arith.index_cast %scan3A_489 : i32 to index
        %get3A_514 = arith.constant 48 : index
        %get3A_515 = tpu.vector_load %arg6[%get3A_512, %get3A_513, %get3A_514] {strides = array<i32>} : memref<3x200x128xf32, #tpu.memory_space<vmem>>, vector<1x1x16xf32>,
        %get3A_516 = vector.shape_cast %get3A_515 : vector<1x1x16xf32> to vector<16xf32>
        %add3A_517 = arith.addf %add3A_487, %get3A_516 : vector<16xf32>
        %scan3A_518 = arith.constant 5 : i32
        %scan3A_519 = arith.addi %scan3A_366, %scan3A_518 : i32
        %get3A_520 = arith.constant 2 : i32
        %get3A_521 = arith.index_cast %get3A_520 : i32 to index
        %get3A_522 = arith.index_cast %scan3A_519 : i32 to index
        %get3A_523 = arith.constant 0 : index
        %get3A_524 = tpu.vector_load %arg6[%get3A_521, %get3A_522, %get3A_523] {strides = array<i32>} : memref<3x200x128xf32, #tpu.memory_space<vmem>>, vector<1x1x16xf32>,
        %get3A_525 = vector.shape_cast %get3A_524 : vector<1x1x16xf32> to vector<16xf32>
        %add3A_526 = arith.addf %add3A_496, %get3A_525 : vector<16xf32>
        %get3A_527 = arith.constant 2 : i32
        %get3A_528 = arith.index_cast %get3A_527 : i32 to index
        %get3A_529 = arith.index_cast %scan3A_519 : i32 to index
        %get3A_530 = arith.constant 16 : index
        %get3A_531 = tpu.vector_load %arg6[%get3A_528, %get3A_529, %get3A_530] {strides = array<i32>} : memref<3x200x128xf32, #tpu.memory_space<vmem>>, vector<1x1x16xf32>,
        %get3A_532 = vector.shape_cast %get3A_531 : vector<1x1x16xf32> to vector<16xf32>
        %add3A_533 = arith.addf %add3A_503, %get3A_532 : vector<16xf32>
        %get3A_534 = arith.constant 2 : i32
        %get3A_535 = arith.index_cast %get3A_534 : i32 to index
        %get3A_536 = arith.index_cast %scan3A_519 : i32 to index
        %get3A_537 = arith.constant 32 : index
        %get3A_538 = tpu.vector_load %arg6[%get3A_535, %get3A_536, %get3A_537] {strides = array<i32>} : memref<3x200x128xf32, #tpu.memory_space<vmem>>, vector<1x1x16xf32>,
        %get3A_539 = vector.shape_cast %get3A_538 : vector<1x1x16xf32> to vector<16xf32>
        %add3A_540 = arith.addf %add3A_510, %get3A_539 : vector<16xf32>
        %get3A_541 = arith.constant 2 : i32
        %get3A_542 = arith.index_cast %get3A_541 : i32 to index
        %get3A_543 = arith.index_cast %scan3A_519 : i32 to index
        %get3A_544 = arith.constant 48 : index
        %get3A_545 = tpu.vector_load %arg6[%get3A_542, %get3A_543, %get3A_544] {strides = array<i32>} : memref<3x200x128xf32, #tpu.memory_space<vmem>>, vector<1x1x16xf32>,
        %get3A_546 = vector.shape_cast %get3A_545 : vector<1x1x16xf32> to vector<16xf32>
        %add3A_547 = arith.addf %add3A_517, %get3A_546 : vector<16xf32>
        %scan3A_548 = arith.constant 6 : i32
        %scan3A_549 = arith.addi %scan3A_366, %scan3A_548 : i32
        %get3A_550 = arith.constant 2 : i32
        %get3A_551 = arith.index_cast %get3A_550 : i32 to index
        %get3A_552 = arith.index_cast %scan3A_549 : i32 to index
        %get3A_553 = arith.constant 0 : index
        %get3A_554 = tpu.vector_load %arg6[%get3A_551, %get3A_552, %get3A_553] {strides = array<i32>} : memref<3x200x128xf32, #tpu.memory_space<vmem>>, vector<1x1x16xf32>,
        %get3A_555 = vector.shape_cast %get3A_554 : vector<1x1x16xf32> to vector<16xf32>
        %add3A_556 = arith.addf %add3A_526, %get3A_555 : vector<16xf32>
        %get3A_557 = arith.constant 2 : i32
        %get3A_558 = arith.index_cast %get3A_557 : i32 to index
        %get3A_559 = arith.index_cast %scan3A_549 : i32 to index
        %get3A_560 = arith.constant 16 : index
        %get3A_561 = tpu.vector_load %arg6[%get3A_558, %get3A_559, %get3A_560] {strides = array<i32>} : memref<3x200x128xf32, #tpu.memory_space<vmem>>, vector<1x1x16xf32>,
        %get3A_562 = vector.shape_cast %get3A_561 : vector<1x1x16xf32> to vector<16xf32>
        %add3A_563 = arith.addf %add3A_533, %get3A_562 : vector<16xf32>
        %get3A_564 = arith.constant 2 : i32
        %get3A_565 = arith.index_cast %get3A_564 : i32 to index
        %get3A_566 = arith.index_cast %scan3A_549 : i32 to index
        %get3A_567 = arith.constant 32 : index
        %get3A_568 = tpu.vector_load %arg6[%get3A_565, %get3A_566, %get3A_567] {strides = array<i32>} : memref<3x200x128xf32, #tpu.memory_space<vmem>>, vector<1x1x16xf32>,
        %get3A_569 = vector.shape_cast %get3A_568 : vector<1x1x16xf32> to vector<16xf32>
        %add3A_570 = arith.addf %add3A_540, %get3A_569 : vector<16xf32>
        %get3A_571 = arith.constant 2 : i32
        %get3A_572 = arith.index_cast %get3A_571 : i32 to index
        %get3A_573 = arith.index_cast %scan3A_549 : i32 to index
        %get3A_574 = arith.constant 48 : index
        %get3A_575 = tpu.vector_load %arg6[%get3A_572, %get3A_573, %get3A_574] {strides = array<i32>} : memref<3x200x128xf32, #tpu.memory_space<vmem>>, vector<1x1x16xf32>,
        %get3A_576 = vector.shape_cast %get3A_575 : vector<1x1x16xf32> to vector<16xf32>
        %add3A_577 = arith.addf %add3A_547, %get3A_576 : vector<16xf32>
        %scan3A_578 = arith.constant 7 : i32
        %scan3A_579 = arith.addi %scan3A_366, %scan3A_578 : i32
        %get3A_580 = arith.constant 2 : i32
        %get3A_581 = arith.index_cast %get3A_580 : i32 to index
        %get3A_582 = arith.index_cast %scan3A_579 : i32 to index
        %get3A_583 = arith.constant 0 : index
        %get3A_584 = tpu.vector_load %arg6[%get3A_581, %get3A_582, %get3A_583] {strides = array<i32>} : memref<3x200x128xf32, #tpu.memory_space<vmem>>, vector<1x1x16xf32>,
        %get3A_585 = vector.shape_cast %get3A_584 : vector<1x1x16xf32> to vector<16xf32>
        %add3A_586 = arith.addf %add3A_556, %get3A_585 : vector<16xf32>
        %get3A_587 = arith.constant 2 : i32
        %get3A_588 = arith.index_cast %get3A_587 : i32 to index
        %get3A_589 = arith.index_cast %scan3A_579 : i32 to index
        %get3A_590 = arith.constant 16 : index
        %get3A_591 = tpu.vector_load %arg6[%get3A_588, %get3A_589, %get3A_590] {strides = array<i32>} : memref<3x200x128xf32, #tpu.memory_space<vmem>>, vector<1x1x16xf32>,
        %get3A_592 = vector.shape_cast %get3A_591 : vector<1x1x16xf32> to vector<16xf32>
        %add3A_593 = arith.addf %add3A_563, %get3A_592 : vector<16xf32>
        %get3A_594 = arith.constant 2 : i32
        %get3A_595 = arith.index_cast %get3A_594 : i32 to index
        %get3A_596 = arith.index_cast %scan3A_579 : i32 to index
        %get3A_597 = arith.constant 32 : index
        %get3A_598 = tpu.vector_load %arg6[%get3A_595, %get3A_596, %get3A_597] {strides = array<i32>} : memref<3x200x128xf32, #tpu.memory_space<vmem>>, vector<1x1x16xf32>,
        %get3A_599 = vector.shape_cast %get3A_598 : vector<1x1x16xf32> to vector<16xf32>
        %add3A_600 = arith.addf %add3A_570, %get3A_599 : vector<16xf32>
        %get3A_601 = arith.constant 2 : i32
        %get3A_602 = arith.index_cast %get3A_601 : i32 to index
        %get3A_603 = arith.index_cast %scan3A_579 : i32 to index
        %get3A_604 = arith.constant 48 : index
        %get3A_605 = tpu.vector_load %arg6[%get3A_602, %get3A_603, %get3A_604] {strides = array<i32>} : memref<3x200x128xf32, #tpu.memory_space<vmem>>, vector<1x1x16xf32>,
        %get3A_606 = vector.shape_cast %get3A_605 : vector<1x1x16xf32> to vector<16xf32>
        %add3A_607 = arith.addf %add3A_577, %get3A_606 : vector<16xf32>
        scf.yield %add3A_586, %add3A_593, %add3A_600, %add3A_607 : vector<16xf32>, vector<16xf32>, vector<16xf32>, vector<16xf32>
      }
      %scan3A_326 = arith.constant 200 : i32
      %mul3A_327 = arith.constant 64 : i32
      %mul3A_328 = arith.muli %add3A_298, %mul3A_327 : i32
      %add3A_329 = arith.constant 0 : i32
      %add3A_330 = arith.addi %mul3A_328, %add3A_329 : i32
      %swap3A_331 = arith.index_cast %add3A_330 : i32 to index
      %swap3A_332 = tpu.vector_load %arg7[%swap3A_331] {strides = array<i32>} : memref<8192xf32, #tpu.memory_space<vmem>>, vector<16xf32>,
      %swap3A_333 = vector.shape_cast %swap3A_332 : vector<16xf32> to vector<16xf32>
      %swap3A_334 = vector.shape_cast %scan3A_325#0 : vector<16xf32> to vector<16xf32>
      tpu.vector_store %arg7[%swap3A_331], %swap3A_334 {strides = array<i32>} : memref<8192xf32, #tpu.memory_space<vmem>>, vector<16xf32>,
      %mul3A_335 = arith.constant 64 : i32
      %mul3A_336 = arith.muli %add3A_298, %mul3A_335 : i32
      %add3A_337 = arith.constant 16 : i32
      %add3A_338 = arith.addi %mul3A_336, %add3A_337 : i32
      %swap3A_339 = arith.index_cast %add3A_338 : i32 to index
      %swap3A_340 = tpu.vector_load %arg7[%swap3A_339] {strides = array<i32>} : memref<8192xf32, #tpu.memory_space<vmem>>, vector<16xf32>,
      %swap3A_341 = vector.shape_cast %swap3A_340 : vector<16xf32> to vector<16xf32>
      %swap3A_342 = vector.shape_cast %scan3A_325#1 : vector<16xf32> to vector<16xf32>
      tpu.vector_store %arg7[%swap3A_339], %swap3A_342 {strides = array<i32>} : memref<8192xf32, #tpu.memory_space<vmem>>, vector<16xf32>,
      %mul3A_343 = arith.constant 64 : i32
      %mul3A_344 = arith.muli %add3A_298, %mul3A_343 : i32
      %add3A_345 = arith.constant 32 : i32
      %add3A_346 = arith.addi %mul3A_344, %add3A_345 : i32
      %swap3A_347 = arith.index_cast %add3A_346 : i32 to index
      %swap3A_348 = tpu.vector_load %arg7[%swap3A_347] {strides = array<i32>} : memref<8192xf32, #tpu.memory_space<vmem>>, vector<16xf32>,
      %swap3A_349 = vector.shape_cast %swap3A_348 : vector<16xf32> to vector<16xf32>
      %swap3A_350 = vector.shape_cast %scan3A_325#2 : vector<16xf32> to vector<16xf32>
      tpu.vector_store %arg7[%swap3A_347], %swap3A_350 {strides = array<i32>} : memref<8192xf32, #tpu.memory_space<vmem>>, vector<16xf32>,
      %mul3A_351 = arith.constant 64 : i32
      %mul3A_352 = arith.muli %add3A_298, %mul3A_351 : i32
      %add3A_353 = arith.constant 48 : i32
      %add3A_354 = arith.addi %mul3A_352, %add3A_353 : i32
      %swap3A_355 = arith.index_cast %add3A_354 : i32 to index
      %swap3A_356 = tpu.vector_load %arg7[%swap3A_355] {strides = array<i32>} : memref<8192xf32, #tpu.memory_space<vmem>>, vector<16xf32>,
      %swap3A_357 = vector.shape_cast %swap3A_356 : vector<16xf32> to vector<16xf32>
      %swap3A_358 = vector.shape_cast %scan3A_325#3 : vector<16xf32> to vector<16xf32>
      tpu.vector_store %arg7[%swap3A_355], %swap3A_358 {strides = array<i32>} : memref<8192xf32, #tpu.memory_space<vmem>>, vector<16xf32>,
      %add3A_359 = arith.constant 3 : i32
      %add3A_360 = arith.addi %add3A_298, %add3A_359 : i32
      %lt3A_361 = arith.constant 128 : i32
      %lt3A_362 = arith.cmpi slt, %add3A_360, %lt3A_361 : i32
      %convert_element_type3A_363 = arith.extui %lt3A_362 : i1 to i32
      %cond3A_364 = arith.constant 0 : i32
      %cond3A_365 = arith.cmpi ne, %convert_element_type3A_363, %cond3A_364 : i32
      scf.if %cond3A_365 {
        %add3A_366 = arith.constant 3 : i32
        %add3A_367 = arith.addi %add3A_298, %add3A_366 : i32
        %mul3A_368 = arith.constant 200 : i32
        %mul3A_369 = arith.muli %add3A_367, %mul3A_368 : i32
        %multiple_of3A_370 = tpu.assume_multiple %mul3A_369, 8 : i32
        %dma_start3A_371 = arith.constant 2 : i32
        %dma_start3A_372 = arith.constant 0 : i32
        %dma_start3A_373 = arith.constant 0 : i32
        %dma_start3A_374 = tpu.memref_slice %arg6[%dma_start3A_371, %dma_start3A_372, %dma_start3A_373] : memref<3x200x128xf32, #tpu.memory_space<vmem>> -> memref<1x104x128xf32, #tpu.memory_space<vmem>>
        %dma_start3A_375 = tpu.memref_squeeze %dma_start3A_374 : memref<1x104x128xf32, #tpu.memory_space<vmem>> -> memref<104x128xf32, #tpu.memory_space<vmem>>
        %dma_start3A_376 = tpu.memref_slice %arg5[%multiple_of3A_370] : memref<25600xi32, #tpu.memory_space<vmem>> -> memref<104xi32, #tpu.memory_space<vmem>>
        %dma_start3A_377 = arith.constant 0 : i32
        %dma_start3A_378 = arith.constant 0 : i32
        %dma_start3A_379 = tpu.memref_slice %arg3[%dma_start3A_377, %dma_start3A_378] : memref<1000000x128xf32, #tpu.memory_space<hbm>> -> memref<1000000x128xf32, #tpu.memory_space<hbm>>
        tpu.enqueue_indirect_dma source(%dma_start3A_379 : memref<1000000x128xf32, #tpu.memory_space<hbm>>) target(%dma_start3A_375 : memref<104x128xf32, #tpu.memory_space<vmem>>) offsets(%dma_start3A_376 : memref<104xi32, #tpu.memory_space<vmem>>) semaphore(%arg10 : memref<!tpu.dma_semaphore, #tpu.memory_space<semaphore_mem>>)
        %add3A_380 = arith.constant 104 : i32
        %add3A_381 = arith.addi %multiple_of3A_370, %add3A_380 : i32
        %dma_start3A_382 = arith.constant 2 : i32
        %dma_start3A_383 = arith.constant 104 : i32
        %dma_start3A_384 = arith.constant 0 : i32
        %dma_start3A_385 = tpu.memref_slice %arg6[%dma_start3A_382, %dma_start3A_383, %dma_start3A_384] : memref<3x200x128xf32, #tpu.memory_space<vmem>> -> memref<1x96x128xf32, #tpu.memory_space<vmem>>
        %dma_start3A_386 = tpu.memref_squeeze %dma_start3A_385 : memref<1x96x128xf32, #tpu.memory_space<vmem>> -> memref<96x128xf32, #tpu.memory_space<vmem>>
        %dma_start3A_387 = tpu.memref_slice %arg5[%add3A_381] : memref<25600xi32, #tpu.memory_space<vmem>> -> memref<96xi32, #tpu.memory_space<vmem>>
        %dma_start3A_388 = arith.constant 0 : i32
        %dma_start3A_389 = arith.constant 0 : i32
        %dma_start3A_390 = tpu.memref_slice %arg3[%dma_start3A_388, %dma_start3A_389] : memref<1000000x128xf32, #tpu.memory_space<hbm>> -> memref<1000000x128xf32, #tpu.memory_space<hbm>>
        tpu.enqueue_indirect_dma source(%dma_start3A_390 : memref<1000000x128xf32, #tpu.memory_space<hbm>>) target(%dma_start3A_386 : memref<96x128xf32, #tpu.memory_space<vmem>>) offsets(%dma_start3A_387 : memref<96xi32, #tpu.memory_space<vmem>>) semaphore(%arg10 : memref<!tpu.dma_semaphore, #tpu.memory_space<semaphore_mem>>)
      } else {
      }
    }
    %scan3A_71 = arith.constant 42 : i32
    %dma_wait3A = arith.constant 0 : i32
    %dma_wait3A_72 = arith.constant 0 : i32
    %dma_wait3A_73 = arith.constant 0 : i32
    %dma_wait3A_74 = tpu.memref_slice %arg6[%dma_wait3A, %dma_wait3A_72, %dma_wait3A_73] : memref<3x200x128xf32, #tpu.memory_space<vmem>> -> memref<1x104x128xf32, #tpu.memory_space<vmem>>
    %dma_wait3A_75 = tpu.memref_squeeze %dma_wait3A_74 : memref<1x104x128xf32, #tpu.memory_space<vmem>> -> memref<104x128xf32, #tpu.memory_space<vmem>>
    %dma_wait3A_76 = arith.constant 0 : i32
    %dma_wait3A_77 = tpu.memref_slice %arg5[%dma_wait3A_76] : memref<25600xi32, #tpu.memory_space<vmem>> -> memref<104xi32, #tpu.memory_space<vmem>>
    %dma_wait3A_78 = arith.constant 0 : i32
    %dma_wait3A_79 = arith.constant 0 : i32
    %dma_wait3A_80 = tpu.memref_slice %arg3[%dma_wait3A_78, %dma_wait3A_79] : memref<1000000x128xf32, #tpu.memory_space<hbm>> -> memref<1000000x128xf32, #tpu.memory_space<hbm>>
    tpu.wait_indirect_dma semaphore(%arg8 : memref<!tpu.dma_semaphore, #tpu.memory_space<semaphore_mem>>) src(%dma_wait3A_80 : memref<1000000x128xf32, #tpu.memory_space<hbm>>) dst(%dma_wait3A_75 : memref<104x128xf32, #tpu.memory_space<vmem>>)
    %dma_wait3A_81 = arith.constant 0 : i32
    %dma_wait3A_82 = arith.constant 104 : i32
    %dma_wait3A_83 = arith.constant 0 : i32
    %dma_wait3A_84 = tpu.memref_slice %arg6[%dma_wait3A_81, %dma_wait3A_82, %dma_wait3A_83] : memref<3x200x128xf32, #tpu.memory_space<vmem>> -> memref<1x96x128xf32, #tpu.memory_space<vmem>>
    %dma_wait3A_85 = tpu.memref_squeeze %dma_wait3A_84 : memref<1x96x128xf32, #tpu.memory_space<vmem>> -> memref<96x128xf32, #tpu.memory_space<vmem>>
    %dma_wait3A_86 = arith.constant 0 : i32
    %dma_wait3A_87 = tpu.memref_slice %arg5[%dma_wait3A_86] : memref<25600xi32, #tpu.memory_space<vmem>> -> memref<96xi32, #tpu.memory_space<vmem>>
    %dma_wait3A_88 = arith.constant 0 : i32
    %dma_wait3A_89 = arith.constant 0 : i32
    %dma_wait3A_90 = tpu.memref_slice %arg3[%dma_wait3A_88, %dma_wait3A_89] : memref<1000000x128xf32, #tpu.memory_space<hbm>> -> memref<1000000x128xf32, #tpu.memory_space<hbm>>
    tpu.wait_indirect_dma semaphore(%arg8 : memref<!tpu.dma_semaphore, #tpu.memory_space<semaphore_mem>>) src(%dma_wait3A_90 : memref<1000000x128xf32, #tpu.memory_space<hbm>>) dst(%dma_wait3A_85 : memref<96x128xf32, #tpu.memory_space<vmem>>)
    %broadcast_in_dim3A = arith.constant 0.000000e+00 : f32
    %broadcast_in_dim3A_91 = vector.broadcast %broadcast_in_dim3A : f32 to vector<16xf32>
    %scan3A_92 = arith.constant 0 : i32
    %scan3A_93 = arith.constant 200 : i32
    %scan3A_94 = arith.addi %scan3A_92, %scan3A_93 : i32
    %scan3A_95 = arith.constant 8 : i32
    %scan3A_96:4 = scf.for %scan3A_159 = %scan3A_92 to %scan3A_94 step %scan3A_95 iter_args(%scan3A_160 = %broadcast_in_dim3A_91, %scan3A_161 = %broadcast_in_dim3A_91, %scan3A_162 = %broadcast_in_dim3A_91, %scan3A_163 = %broadcast_in_dim3A_91) -> (vector<16xf32>, vector<16xf32>, vector<16xf32>, vector<16xf32>)  : i32 {
      %get3A = arith.constant 0 : i32
      %get3A_164 = arith.index_cast %get3A : i32 to index
      %get3A_165 = arith.index_cast %scan3A_159 : i32 to index
      %get3A_166 = arith.constant 0 : index
      %get3A_167 = tpu.vector_load %arg6[%get3A_164, %get3A_165, %get3A_166] {strides = array<i32>} : memref<3x200x128xf32, #tpu.memory_space<vmem>>, vector<1x1x16xf32>,
      %get3A_168 = vector.shape_cast %get3A_167 : vector<1x1x16xf32> to vector<16xf32>
      %add3A_169 = arith.addf %scan3A_160, %get3A_168 : vector<16xf32>
      %get3A_170 = arith.constant 0 : i32
      %get3A_171 = arith.index_cast %get3A_170 : i32 to index
      %get3A_172 = arith.index_cast %scan3A_159 : i32 to index
      %get3A_173 = arith.constant 16 : index
      %get3A_174 = tpu.vector_load %arg6[%get3A_171, %get3A_172, %get3A_173] {strides = array<i32>} : memref<3x200x128xf32, #tpu.memory_space<vmem>>, vector<1x1x16xf32>,
      %get3A_175 = vector.shape_cast %get3A_174 : vector<1x1x16xf32> to vector<16xf32>
      %add3A_176 = arith.addf %scan3A_161, %get3A_175 : vector<16xf32>
      %get3A_177 = arith.constant 0 : i32
      %get3A_178 = arith.index_cast %get3A_177 : i32 to index
      %get3A_179 = arith.index_cast %scan3A_159 : i32 to index
      %get3A_180 = arith.constant 32 : index
      %get3A_181 = tpu.vector_load %arg6[%get3A_178, %get3A_179, %get3A_180] {strides = array<i32>} : memref<3x200x128xf32, #tpu.memory_space<vmem>>, vector<1x1x16xf32>,
      %get3A_182 = vector.shape_cast %get3A_181 : vector<1x1x16xf32> to vector<16xf32>
      %add3A_183 = arith.addf %scan3A_162, %get3A_182 : vector<16xf32>
      %get3A_184 = arith.constant 0 : i32
      %get3A_185 = arith.index_cast %get3A_184 : i32 to index
      %get3A_186 = arith.index_cast %scan3A_159 : i32 to index
      %get3A_187 = arith.constant 48 : index
      %get3A_188 = tpu.vector_load %arg6[%get3A_185, %get3A_186, %get3A_187] {strides = array<i32>} : memref<3x200x128xf32, #tpu.memory_space<vmem>>, vector<1x1x16xf32>,
      %get3A_189 = vector.shape_cast %get3A_188 : vector<1x1x16xf32> to vector<16xf32>
      %add3A_190 = arith.addf %scan3A_163, %get3A_189 : vector<16xf32>
      %scan3A_191 = arith.constant 1 : i32
      %scan3A_192 = arith.addi %scan3A_159, %scan3A_191 : i32
      %get3A_193 = arith.constant 0 : i32
      %get3A_194 = arith.index_cast %get3A_193 : i32 to index
      %get3A_195 = arith.index_cast %scan3A_192 : i32 to index
      %get3A_196 = arith.constant 0 : index
      %get3A_197 = tpu.vector_load %arg6[%get3A_194, %get3A_195, %get3A_196] {strides = array<i32>} : memref<3x200x128xf32, #tpu.memory_space<vmem>>, vector<1x1x16xf32>,
      %get3A_198 = vector.shape_cast %get3A_197 : vector<1x1x16xf32> to vector<16xf32>
      %add3A_199 = arith.addf %add3A_169, %get3A_198 : vector<16xf32>
      %get3A_200 = arith.constant 0 : i32
      %get3A_201 = arith.index_cast %get3A_200 : i32 to index
      %get3A_202 = arith.index_cast %scan3A_192 : i32 to index
      %get3A_203 = arith.constant 16 : index
      %get3A_204 = tpu.vector_load %arg6[%get3A_201, %get3A_202, %get3A_203] {strides = array<i32>} : memref<3x200x128xf32, #tpu.memory_space<vmem>>, vector<1x1x16xf32>,
      %get3A_205 = vector.shape_cast %get3A_204 : vector<1x1x16xf32> to vector<16xf32>
      %add3A_206 = arith.addf %add3A_176, %get3A_205 : vector<16xf32>
      %get3A_207 = arith.constant 0 : i32
      %get3A_208 = arith.index_cast %get3A_207 : i32 to index
      %get3A_209 = arith.index_cast %scan3A_192 : i32 to index
      %get3A_210 = arith.constant 32 : index
      %get3A_211 = tpu.vector_load %arg6[%get3A_208, %get3A_209, %get3A_210] {strides = array<i32>} : memref<3x200x128xf32, #tpu.memory_space<vmem>>, vector<1x1x16xf32>,
      %get3A_212 = vector.shape_cast %get3A_211 : vector<1x1x16xf32> to vector<16xf32>
      %add3A_213 = arith.addf %add3A_183, %get3A_212 : vector<16xf32>
      %get3A_214 = arith.constant 0 : i32
      %get3A_215 = arith.index_cast %get3A_214 : i32 to index
      %get3A_216 = arith.index_cast %scan3A_192 : i32 to index
      %get3A_217 = arith.constant 48 : index
      %get3A_218 = tpu.vector_load %arg6[%get3A_215, %get3A_216, %get3A_217] {strides = array<i32>} : memref<3x200x128xf32, #tpu.memory_space<vmem>>, vector<1x1x16xf32>,
      %get3A_219 = vector.shape_cast %get3A_218 : vector<1x1x16xf32> to vector<16xf32>
      %add3A_220 = arith.addf %add3A_190, %get3A_219 : vector<16xf32>
      %scan3A_221 = arith.constant 2 : i32
      %scan3A_222 = arith.addi %scan3A_159, %scan3A_221 : i32
      %get3A_223 = arith.constant 0 : i32
      %get3A_224 = arith.index_cast %get3A_223 : i32 to index
      %get3A_225 = arith.index_cast %scan3A_222 : i32 to index
      %get3A_226 = arith.constant 0 : index
      %get3A_227 = tpu.vector_load %arg6[%get3A_224, %get3A_225, %get3A_226] {strides = array<i32>} : memref<3x200x128xf32, #tpu.memory_space<vmem>>, vector<1x1x16xf32>,
      %get3A_228 = vector.shape_cast %get3A_227 : vector<1x1x16xf32> to vector<16xf32>
      %add3A_229 = arith.addf %add3A_199, %get3A_228 : vector<16xf32>
      %get3A_230 = arith.constant 0 : i32
      %get3A_231 = arith.index_cast %get3A_230 : i32 to index
      %get3A_232 = arith.index_cast %scan3A_222 : i32 to index
      %get3A_233 = arith.constant 16 : index
      %get3A_234 = tpu.vector_load %arg6[%get3A_231, %get3A_232, %get3A_233] {strides = array<i32>} : memref<3x200x128xf32, #tpu.memory_space<vmem>>, vector<1x1x16xf32>,
      %get3A_235 = vector.shape_cast %get3A_234 : vector<1x1x16xf32> to vector<16xf32>
      %add3A_236 = arith.addf %add3A_206, %get3A_235 : vector<16xf32>
      %get3A_237 = arith.constant 0 : i32
      %get3A_238 = arith.index_cast %get3A_237 : i32 to index
      %get3A_239 = arith.index_cast %scan3A_222 : i32 to index
      %get3A_240 = arith.constant 32 : index
      %get3A_241 = tpu.vector_load %arg6[%get3A_238, %get3A_239, %get3A_240] {strides = array<i32>} : memref<3x200x128xf32, #tpu.memory_space<vmem>>, vector<1x1x16xf32>,
      %get3A_242 = vector.shape_cast %get3A_241 : vector<1x1x16xf32> to vector<16xf32>
      %add3A_243 = arith.addf %add3A_213, %get3A_242 : vector<16xf32>
      %get3A_244 = arith.constant 0 : i32
      %get3A_245 = arith.index_cast %get3A_244 : i32 to index
      %get3A_246 = arith.index_cast %scan3A_222 : i32 to index
      %get3A_247 = arith.constant 48 : index
      %get3A_248 = tpu.vector_load %arg6[%get3A_245, %get3A_246, %get3A_247] {strides = array<i32>} : memref<3x200x128xf32, #tpu.memory_space<vmem>>, vector<1x1x16xf32>,
      %get3A_249 = vector.shape_cast %get3A_248 : vector<1x1x16xf32> to vector<16xf32>
      %add3A_250 = arith.addf %add3A_220, %get3A_249 : vector<16xf32>
      %scan3A_251 = arith.constant 3 : i32
      %scan3A_252 = arith.addi %scan3A_159, %scan3A_251 : i32
      %get3A_253 = arith.constant 0 : i32
      %get3A_254 = arith.index_cast %get3A_253 : i32 to index
      %get3A_255 = arith.index_cast %scan3A_252 : i32 to index
      %get3A_256 = arith.constant 0 : index
      %get3A_257 = tpu.vector_load %arg6[%get3A_254, %get3A_255, %get3A_256] {strides = array<i32>} : memref<3x200x128xf32, #tpu.memory_space<vmem>>, vector<1x1x16xf32>,
      %get3A_258 = vector.shape_cast %get3A_257 : vector<1x1x16xf32> to vector<16xf32>
      %add3A_259 = arith.addf %add3A_229, %get3A_258 : vector<16xf32>
      %get3A_260 = arith.constant 0 : i32
      %get3A_261 = arith.index_cast %get3A_260 : i32 to index
      %get3A_262 = arith.index_cast %scan3A_252 : i32 to index
      %get3A_263 = arith.constant 16 : index
      %get3A_264 = tpu.vector_load %arg6[%get3A_261, %get3A_262, %get3A_263] {strides = array<i32>} : memref<3x200x128xf32, #tpu.memory_space<vmem>>, vector<1x1x16xf32>,
      %get3A_265 = vector.shape_cast %get3A_264 : vector<1x1x16xf32> to vector<16xf32>
      %add3A_266 = arith.addf %add3A_236, %get3A_265 : vector<16xf32>
      %get3A_267 = arith.constant 0 : i32
      %get3A_268 = arith.index_cast %get3A_267 : i32 to index
      %get3A_269 = arith.index_cast %scan3A_252 : i32 to index
      %get3A_270 = arith.constant 32 : index
      %get3A_271 = tpu.vector_load %arg6[%get3A_268, %get3A_269, %get3A_270] {strides = array<i32>} : memref<3x200x128xf32, #tpu.memory_space<vmem>>, vector<1x1x16xf32>,
      %get3A_272 = vector.shape_cast %get3A_271 : vector<1x1x16xf32> to vector<16xf32>
      %add3A_273 = arith.addf %add3A_243, %get3A_272 : vector<16xf32>
      %get3A_274 = arith.constant 0 : i32
      %get3A_275 = arith.index_cast %get3A_274 : i32 to index
      %get3A_276 = arith.index_cast %scan3A_252 : i32 to index
      %get3A_277 = arith.constant 48 : index
      %get3A_278 = tpu.vector_load %arg6[%get3A_275, %get3A_276, %get3A_277] {strides = array<i32>} : memref<3x200x128xf32, #tpu.memory_space<vmem>>, vector<1x1x16xf32>,
      %get3A_279 = vector.shape_cast %get3A_278 : vector<1x1x16xf32> to vector<16xf32>
      %add3A_280 = arith.addf %add3A_250, %get3A_279 : vector<16xf32>
      %scan3A_281 = arith.constant 4 : i32
      %scan3A_282 = arith.addi %scan3A_159, %scan3A_281 : i32
      %get3A_283 = arith.constant 0 : i32
      %get3A_284 = arith.index_cast %get3A_283 : i32 to index
      %get3A_285 = arith.index_cast %scan3A_282 : i32 to index
      %get3A_286 = arith.constant 0 : index
      %get3A_287 = tpu.vector_load %arg6[%get3A_284, %get3A_285, %get3A_286] {strides = array<i32>} : memref<3x200x128xf32, #tpu.memory_space<vmem>>, vector<1x1x16xf32>,
      %get3A_288 = vector.shape_cast %get3A_287 : vector<1x1x16xf32> to vector<16xf32>
      %add3A_289 = arith.addf %add3A_259, %get3A_288 : vector<16xf32>
      %get3A_290 = arith.constant 0 : i32
      %get3A_291 = arith.index_cast %get3A_290 : i32 to index
      %get3A_292 = arith.index_cast %scan3A_282 : i32 to index
      %get3A_293 = arith.constant 16 : index
      %get3A_294 = tpu.vector_load %arg6[%get3A_291, %get3A_292, %get3A_293] {strides = array<i32>} : memref<3x200x128xf32, #tpu.memory_space<vmem>>, vector<1x1x16xf32>,
      %get3A_295 = vector.shape_cast %get3A_294 : vector<1x1x16xf32> to vector<16xf32>
      %add3A_296 = arith.addf %add3A_266, %get3A_295 : vector<16xf32>
      %get3A_297 = arith.constant 0 : i32
      %get3A_298 = arith.index_cast %get3A_297 : i32 to index
      %get3A_299 = arith.index_cast %scan3A_282 : i32 to index
      %get3A_300 = arith.constant 32 : index
      %get3A_301 = tpu.vector_load %arg6[%get3A_298, %get3A_299, %get3A_300] {strides = array<i32>} : memref<3x200x128xf32, #tpu.memory_space<vmem>>, vector<1x1x16xf32>,
      %get3A_302 = vector.shape_cast %get3A_301 : vector<1x1x16xf32> to vector<16xf32>
      %add3A_303 = arith.addf %add3A_273, %get3A_302 : vector<16xf32>
      %get3A_304 = arith.constant 0 : i32
      %get3A_305 = arith.index_cast %get3A_304 : i32 to index
      %get3A_306 = arith.index_cast %scan3A_282 : i32 to index
      %get3A_307 = arith.constant 48 : index
      %get3A_308 = tpu.vector_load %arg6[%get3A_305, %get3A_306, %get3A_307] {strides = array<i32>} : memref<3x200x128xf32, #tpu.memory_space<vmem>>, vector<1x1x16xf32>,
      %get3A_309 = vector.shape_cast %get3A_308 : vector<1x1x16xf32> to vector<16xf32>
      %add3A_310 = arith.addf %add3A_280, %get3A_309 : vector<16xf32>
      %scan3A_311 = arith.constant 5 : i32
      %scan3A_312 = arith.addi %scan3A_159, %scan3A_311 : i32
      %get3A_313 = arith.constant 0 : i32
      %get3A_314 = arith.index_cast %get3A_313 : i32 to index
      %get3A_315 = arith.index_cast %scan3A_312 : i32 to index
      %get3A_316 = arith.constant 0 : index
      %get3A_317 = tpu.vector_load %arg6[%get3A_314, %get3A_315, %get3A_316] {strides = array<i32>} : memref<3x200x128xf32, #tpu.memory_space<vmem>>, vector<1x1x16xf32>,
      %get3A_318 = vector.shape_cast %get3A_317 : vector<1x1x16xf32> to vector<16xf32>
      %add3A_319 = arith.addf %add3A_289, %get3A_318 : vector<16xf32>
      %get3A_320 = arith.constant 0 : i32
      %get3A_321 = arith.index_cast %get3A_320 : i32 to index
      %get3A_322 = arith.index_cast %scan3A_312 : i32 to index
      %get3A_323 = arith.constant 16 : index
      %get3A_324 = tpu.vector_load %arg6[%get3A_321, %get3A_322, %get3A_323] {strides = array<i32>} : memref<3x200x128xf32, #tpu.memory_space<vmem>>, vector<1x1x16xf32>,
      %get3A_325 = vector.shape_cast %get3A_324 : vector<1x1x16xf32> to vector<16xf32>
      %add3A_326 = arith.addf %add3A_296, %get3A_325 : vector<16xf32>
      %get3A_327 = arith.constant 0 : i32
      %get3A_328 = arith.index_cast %get3A_327 : i32 to index
      %get3A_329 = arith.index_cast %scan3A_312 : i32 to index
      %get3A_330 = arith.constant 32 : index
      %get3A_331 = tpu.vector_load %arg6[%get3A_328, %get3A_329, %get3A_330] {strides = array<i32>} : memref<3x200x128xf32, #tpu.memory_space<vmem>>, vector<1x1x16xf32>,
      %get3A_332 = vector.shape_cast %get3A_331 : vector<1x1x16xf32> to vector<16xf32>
      %add3A_333 = arith.addf %add3A_303, %get3A_332 : vector<16xf32>
      %get3A_334 = arith.constant 0 : i32
      %get3A_335 = arith.index_cast %get3A_334 : i32 to index
      %get3A_336 = arith.index_cast %scan3A_312 : i32 to index
      %get3A_337 = arith.constant 48 : index
      %get3A_338 = tpu.vector_load %arg6[%get3A_335, %get3A_336, %get3A_337] {strides = array<i32>} : memref<3x200x128xf32, #tpu.memory_space<vmem>>, vector<1x1x16xf32>,
      %get3A_339 = vector.shape_cast %get3A_338 : vector<1x1x16xf32> to vector<16xf32>
      %add3A_340 = arith.addf %add3A_310, %get3A_339 : vector<16xf32>
      %scan3A_341 = arith.constant 6 : i32
      %scan3A_342 = arith.addi %scan3A_159, %scan3A_341 : i32
      %get3A_343 = arith.constant 0 : i32
      %get3A_344 = arith.index_cast %get3A_343 : i32 to index
      %get3A_345 = arith.index_cast %scan3A_342 : i32 to index
      %get3A_346 = arith.constant 0 : index
      %get3A_347 = tpu.vector_load %arg6[%get3A_344, %get3A_345, %get3A_346] {strides = array<i32>} : memref<3x200x128xf32, #tpu.memory_space<vmem>>, vector<1x1x16xf32>,
      %get3A_348 = vector.shape_cast %get3A_347 : vector<1x1x16xf32> to vector<16xf32>
      %add3A_349 = arith.addf %add3A_319, %get3A_348 : vector<16xf32>
      %get3A_350 = arith.constant 0 : i32
      %get3A_351 = arith.index_cast %get3A_350 : i32 to index
      %get3A_352 = arith.index_cast %scan3A_342 : i32 to index
      %get3A_353 = arith.constant 16 : index
      %get3A_354 = tpu.vector_load %arg6[%get3A_351, %get3A_352, %get3A_353] {strides = array<i32>} : memref<3x200x128xf32, #tpu.memory_space<vmem>>, vector<1x1x16xf32>,
      %get3A_355 = vector.shape_cast %get3A_354 : vector<1x1x16xf32> to vector<16xf32>
      %add3A_356 = arith.addf %add3A_326, %get3A_355 : vector<16xf32>
      %get3A_357 = arith.constant 0 : i32
      %get3A_358 = arith.index_cast %get3A_357 : i32 to index
      %get3A_359 = arith.index_cast %scan3A_342 : i32 to index
      %get3A_360 = arith.constant 32 : index
      %get3A_361 = tpu.vector_load %arg6[%get3A_358, %get3A_359, %get3A_360] {strides = array<i32>} : memref<3x200x128xf32, #tpu.memory_space<vmem>>, vector<1x1x16xf32>,
      %get3A_362 = vector.shape_cast %get3A_361 : vector<1x1x16xf32> to vector<16xf32>
      %add3A_363 = arith.addf %add3A_333, %get3A_362 : vector<16xf32>
      %get3A_364 = arith.constant 0 : i32
      %get3A_365 = arith.index_cast %get3A_364 : i32 to index
      %get3A_366 = arith.index_cast %scan3A_342 : i32 to index
      %get3A_367 = arith.constant 48 : index
      %get3A_368 = tpu.vector_load %arg6[%get3A_365, %get3A_366, %get3A_367] {strides = array<i32>} : memref<3x200x128xf32, #tpu.memory_space<vmem>>, vector<1x1x16xf32>,
      %get3A_369 = vector.shape_cast %get3A_368 : vector<1x1x16xf32> to vector<16xf32>
      %add3A_370 = arith.addf %add3A_340, %get3A_369 : vector<16xf32>
      %scan3A_371 = arith.constant 7 : i32
      %scan3A_372 = arith.addi %scan3A_159, %scan3A_371 : i32
      %get3A_373 = arith.constant 0 : i32
      %get3A_374 = arith.index_cast %get3A_373 : i32 to index
      %get3A_375 = arith.index_cast %scan3A_372 : i32 to index
      %get3A_376 = arith.constant 0 : index
      %get3A_377 = tpu.vector_load %arg6[%get3A_374, %get3A_375, %get3A_376] {strides = array<i32>} : memref<3x200x128xf32, #tpu.memory_space<vmem>>, vector<1x1x16xf32>,
      %get3A_378 = vector.shape_cast %get3A_377 : vector<1x1x16xf32> to vector<16xf32>
      %add3A_379 = arith.addf %add3A_349, %get3A_378 : vector<16xf32>
      %get3A_380 = arith.constant 0 : i32
      %get3A_381 = arith.index_cast %get3A_380 : i32 to index
      %get3A_382 = arith.index_cast %scan3A_372 : i32 to index
      %get3A_383 = arith.constant 16 : index
      %get3A_384 = tpu.vector_load %arg6[%get3A_381, %get3A_382, %get3A_383] {strides = array<i32>} : memref<3x200x128xf32, #tpu.memory_space<vmem>>, vector<1x1x16xf32>,
      %get3A_385 = vector.shape_cast %get3A_384 : vector<1x1x16xf32> to vector<16xf32>
      %add3A_386 = arith.addf %add3A_356, %get3A_385 : vector<16xf32>
      %get3A_387 = arith.constant 0 : i32
      %get3A_388 = arith.index_cast %get3A_387 : i32 to index
      %get3A_389 = arith.index_cast %scan3A_372 : i32 to index
      %get3A_390 = arith.constant 32 : index
      %get3A_391 = tpu.vector_load %arg6[%get3A_388, %get3A_389, %get3A_390] {strides = array<i32>} : memref<3x200x128xf32, #tpu.memory_space<vmem>>, vector<1x1x16xf32>,
      %get3A_392 = vector.shape_cast %get3A_391 : vector<1x1x16xf32> to vector<16xf32>
      %add3A_393 = arith.addf %add3A_363, %get3A_392 : vector<16xf32>
      %get3A_394 = arith.constant 0 : i32
      %get3A_395 = arith.index_cast %get3A_394 : i32 to index
      %get3A_396 = arith.index_cast %scan3A_372 : i32 to index
      %get3A_397 = arith.constant 48 : index
      %get3A_398 = tpu.vector_load %arg6[%get3A_395, %get3A_396, %get3A_397] {strides = array<i32>} : memref<3x200x128xf32, #tpu.memory_space<vmem>>, vector<1x1x16xf32>,
      %get3A_399 = vector.shape_cast %get3A_398 : vector<1x1x16xf32> to vector<16xf32>
      %add3A_400 = arith.addf %add3A_370, %get3A_399 : vector<16xf32>
      scf.yield %add3A_379, %add3A_386, %add3A_393, %add3A_400 : vector<16xf32>, vector<16xf32>, vector<16xf32>, vector<16xf32>
    }
    %scan3A_97 = arith.constant 200 : i32
    %swap3A = arith.constant 8064 : index
    %swap3A_98 = tpu.vector_load %arg7[%swap3A] {strides = array<i32>} : memref<8192xf32, #tpu.memory_space<vmem>>, vector<16xf32>,
    %swap3A_99 = vector.shape_cast %swap3A_98 : vector<16xf32> to vector<16xf32>
    %swap3A_100 = vector.shape_cast %scan3A_96#0 : vector<16xf32> to vector<16xf32>
    tpu.vector_store %arg7[%swap3A], %swap3A_100 {strides = array<i32>} : memref<8192xf32, #tpu.memory_space<vmem>>, vector<16xf32>,
    %swap3A_101 = arith.constant 8080 : index
    %swap3A_102 = tpu.vector_load %arg7[%swap3A_101] {strides = array<i32>} : memref<8192xf32, #tpu.memory_space<vmem>>, vector<16xf32>,
    %swap3A_103 = vector.shape_cast %swap3A_102 : vector<16xf32> to vector<16xf32>
    %swap3A_104 = vector.shape_cast %scan3A_96#1 : vector<16xf32> to vector<16xf32>
    tpu.vector_store %arg7[%swap3A_101], %swap3A_104 {strides = array<i32>} : memref<8192xf32, #tpu.memory_space<vmem>>, vector<16xf32>,
    %swap3A_105 = arith.constant 8096 : index
    %swap3A_106 = tpu.vector_load %arg7[%swap3A_105] {strides = array<i32>} : memref<8192xf32, #tpu.memory_space<vmem>>, vector<16xf32>,
    %swap3A_107 = vector.shape_cast %swap3A_106 : vector<16xf32> to vector<16xf32>
    %swap3A_108 = vector.shape_cast %scan3A_96#2 : vector<16xf32> to vector<16xf32>
    tpu.vector_store %arg7[%swap3A_105], %swap3A_108 {strides = array<i32>} : memref<8192xf32, #tpu.memory_space<vmem>>, vector<16xf32>,
    %swap3A_109 = arith.constant 8112 : index
    %swap3A_110 = tpu.vector_load %arg7[%swap3A_109] {strides = array<i32>} : memref<8192xf32, #tpu.memory_space<vmem>>, vector<16xf32>,
    %swap3A_111 = vector.shape_cast %swap3A_110 : vector<16xf32> to vector<16xf32>
    %swap3A_112 = vector.shape_cast %scan3A_96#3 : vector<16xf32> to vector<16xf32>
    tpu.vector_store %arg7[%swap3A_109], %swap3A_112 {strides = array<i32>} : memref<8192xf32, #tpu.memory_space<vmem>>, vector<16xf32>,
    %dma_wait3A_113 = arith.constant 1 : i32
    %dma_wait3A_114 = arith.constant 0 : i32
    %dma_wait3A_115 = arith.constant 0 : i32
    %dma_wait3A_116 = tpu.memref_slice %arg6[%dma_wait3A_113, %dma_wait3A_114, %dma_wait3A_115] : memref<3x200x128xf32, #tpu.memory_space<vmem>> -> memref<1x104x128xf32, #tpu.memory_space<vmem>>
    %dma_wait3A_117 = tpu.memref_squeeze %dma_wait3A_116 : memref<1x104x128xf32, #tpu.memory_space<vmem>> -> memref<104x128xf32, #tpu.memory_space<vmem>>
    %dma_wait3A_118 = arith.constant 0 : i32
    %dma_wait3A_119 = tpu.memref_slice %arg5[%dma_wait3A_118] : memref<25600xi32, #tpu.memory_space<vmem>> -> memref<104xi32, #tpu.memory_space<vmem>>
    %dma_wait3A_120 = arith.constant 0 : i32
    %dma_wait3A_121 = arith.constant 0 : i32
    %dma_wait3A_122 = tpu.memref_slice %arg3[%dma_wait3A_120, %dma_wait3A_121] : memref<1000000x128xf32, #tpu.memory_space<hbm>> -> memref<1000000x128xf32, #tpu.memory_space<hbm>>
    tpu.wait_indirect_dma semaphore(%arg9 : memref<!tpu.dma_semaphore, #tpu.memory_space<semaphore_mem>>) src(%dma_wait3A_122 : memref<1000000x128xf32, #tpu.memory_space<hbm>>) dst(%dma_wait3A_117 : memref<104x128xf32, #tpu.memory_space<vmem>>)
    %dma_wait3A_123 = arith.constant 1 : i32
    %dma_wait3A_124 = arith.constant 104 : i32
    %dma_wait3A_125 = arith.constant 0 : i32
    %dma_wait3A_126 = tpu.memref_slice %arg6[%dma_wait3A_123, %dma_wait3A_124, %dma_wait3A_125] : memref<3x200x128xf32, #tpu.memory_space<vmem>> -> memref<1x96x128xf32, #tpu.memory_space<vmem>>
    %dma_wait3A_127 = tpu.memref_squeeze %dma_wait3A_126 : memref<1x96x128xf32, #tpu.memory_space<vmem>> -> memref<96x128xf32, #tpu.memory_space<vmem>>
    %dma_wait3A_128 = arith.constant 0 : i32
    %dma_wait3A_129 = tpu.memref_slice %arg5[%dma_wait3A_128] : memref<25600xi32, #tpu.memory_space<vmem>> -> memref<96xi32, #tpu.memory_space<vmem>>
    %dma_wait3A_130 = arith.constant 0 : i32
    %dma_wait3A_131 = arith.constant 0 : i32
    %dma_wait3A_132 = tpu.memref_slice %arg3[%dma_wait3A_130, %dma_wait3A_131] : memref<1000000x128xf32, #tpu.memory_space<hbm>> -> memref<1000000x128xf32, #tpu.memory_space<hbm>>
    tpu.wait_indirect_dma semaphore(%arg9 : memref<!tpu.dma_semaphore, #tpu.memory_space<semaphore_mem>>) src(%dma_wait3A_132 : memref<1000000x128xf32, #tpu.memory_space<hbm>>) dst(%dma_wait3A_127 : memref<96x128xf32, #tpu.memory_space<vmem>>)
    %broadcast_in_dim3A_133 = arith.constant 0.000000e+00 : f32
    %broadcast_in_dim3A_134 = vector.broadcast %broadcast_in_dim3A_133 : f32 to vector<16xf32>
    %scan3A_135 = arith.constant 0 : i32
    %scan3A_136 = arith.constant 200 : i32
    %scan3A_137 = arith.addi %scan3A_135, %scan3A_136 : i32
    %scan3A_138 = arith.constant 8 : i32
    %scan3A_139:4 = scf.for %scan3A_159 = %scan3A_135 to %scan3A_137 step %scan3A_138 iter_args(%scan3A_160 = %broadcast_in_dim3A_134, %scan3A_161 = %broadcast_in_dim3A_134, %scan3A_162 = %broadcast_in_dim3A_134, %scan3A_163 = %broadcast_in_dim3A_134) -> (vector<16xf32>, vector<16xf32>, vector<16xf32>, vector<16xf32>)  : i32 {
      %get3A = arith.constant 1 : i32
      %get3A_164 = arith.index_cast %get3A : i32 to index
      %get3A_165 = arith.index_cast %scan3A_159 : i32 to index
      %get3A_166 = arith.constant 0 : index
      %get3A_167 = tpu.vector_load %arg6[%get3A_164, %get3A_165, %get3A_166] {strides = array<i32>} : memref<3x200x128xf32, #tpu.memory_space<vmem>>, vector<1x1x16xf32>,
      %get3A_168 = vector.shape_cast %get3A_167 : vector<1x1x16xf32> to vector<16xf32>
      %add3A_169 = arith.addf %scan3A_160, %get3A_168 : vector<16xf32>
      %get3A_170 = arith.constant 1 : i32
      %get3A_171 = arith.index_cast %get3A_170 : i32 to index
      %get3A_172 = arith.index_cast %scan3A_159 : i32 to index
      %get3A_173 = arith.constant 16 : index
      %get3A_174 = tpu.vector_load %arg6[%get3A_171, %get3A_172, %get3A_173] {strides = array<i32>} : memref<3x200x128xf32, #tpu.memory_space<vmem>>, vector<1x1x16xf32>,
      %get3A_175 = vector.shape_cast %get3A_174 : vector<1x1x16xf32> to vector<16xf32>
      %add3A_176 = arith.addf %scan3A_161, %get3A_175 : vector<16xf32>
      %get3A_177 = arith.constant 1 : i32
      %get3A_178 = arith.index_cast %get3A_177 : i32 to index
      %get3A_179 = arith.index_cast %scan3A_159 : i32 to index
      %get3A_180 = arith.constant 32 : index
      %get3A_181 = tpu.vector_load %arg6[%get3A_178, %get3A_179, %get3A_180] {strides = array<i32>} : memref<3x200x128xf32, #tpu.memory_space<vmem>>, vector<1x1x16xf32>,
      %get3A_182 = vector.shape_cast %get3A_181 : vector<1x1x16xf32> to vector<16xf32>
      %add3A_183 = arith.addf %scan3A_162, %get3A_182 : vector<16xf32>
      %get3A_184 = arith.constant 1 : i32
      %get3A_185 = arith.index_cast %get3A_184 : i32 to index
      %get3A_186 = arith.index_cast %scan3A_159 : i32 to index
      %get3A_187 = arith.constant 48 : index
      %get3A_188 = tpu.vector_load %arg6[%get3A_185, %get3A_186, %get3A_187] {strides = array<i32>} : memref<3x200x128xf32, #tpu.memory_space<vmem>>, vector<1x1x16xf32>,
      %get3A_189 = vector.shape_cast %get3A_188 : vector<1x1x16xf32> to vector<16xf32>
      %add3A_190 = arith.addf %scan3A_163, %get3A_189 : vector<16xf32>
      %scan3A_191 = arith.constant 1 : i32
      %scan3A_192 = arith.addi %scan3A_159, %scan3A_191 : i32
      %get3A_193 = arith.constant 1 : i32
      %get3A_194 = arith.index_cast %get3A_193 : i32 to index
      %get3A_195 = arith.index_cast %scan3A_192 : i32 to index
      %get3A_196 = arith.constant 0 : index
      %get3A_197 = tpu.vector_load %arg6[%get3A_194, %get3A_195, %get3A_196] {strides = array<i32>} : memref<3x200x128xf32, #tpu.memory_space<vmem>>, vector<1x1x16xf32>,
      %get3A_198 = vector.shape_cast %get3A_197 : vector<1x1x16xf32> to vector<16xf32>
      %add3A_199 = arith.addf %add3A_169, %get3A_198 : vector<16xf32>
      %get3A_200 = arith.constant 1 : i32
      %get3A_201 = arith.index_cast %get3A_200 : i32 to index
      %get3A_202 = arith.index_cast %scan3A_192 : i32 to index
      %get3A_203 = arith.constant 16 : index
      %get3A_204 = tpu.vector_load %arg6[%get3A_201, %get3A_202, %get3A_203] {strides = array<i32>} : memref<3x200x128xf32, #tpu.memory_space<vmem>>, vector<1x1x16xf32>,
      %get3A_205 = vector.shape_cast %get3A_204 : vector<1x1x16xf32> to vector<16xf32>
      %add3A_206 = arith.addf %add3A_176, %get3A_205 : vector<16xf32>
      %get3A_207 = arith.constant 1 : i32
      %get3A_208 = arith.index_cast %get3A_207 : i32 to index
      %get3A_209 = arith.index_cast %scan3A_192 : i32 to index
      %get3A_210 = arith.constant 32 : index
      %get3A_211 = tpu.vector_load %arg6[%get3A_208, %get3A_209, %get3A_210] {strides = array<i32>} : memref<3x200x128xf32, #tpu.memory_space<vmem>>, vector<1x1x16xf32>,
      %get3A_212 = vector.shape_cast %get3A_211 : vector<1x1x16xf32> to vector<16xf32>
      %add3A_213 = arith.addf %add3A_183, %get3A_212 : vector<16xf32>
      %get3A_214 = arith.constant 1 : i32
      %get3A_215 = arith.index_cast %get3A_214 : i32 to index
      %get3A_216 = arith.index_cast %scan3A_192 : i32 to index
      %get3A_217 = arith.constant 48 : index
      %get3A_218 = tpu.vector_load %arg6[%get3A_215, %get3A_216, %get3A_217] {strides = array<i32>} : memref<3x200x128xf32, #tpu.memory_space<vmem>>, vector<1x1x16xf32>,
      %get3A_219 = vector.shape_cast %get3A_218 : vector<1x1x16xf32> to vector<16xf32>
      %add3A_220 = arith.addf %add3A_190, %get3A_219 : vector<16xf32>
      %scan3A_221 = arith.constant 2 : i32
      %scan3A_222 = arith.addi %scan3A_159, %scan3A_221 : i32
      %get3A_223 = arith.constant 1 : i32
      %get3A_224 = arith.index_cast %get3A_223 : i32 to index
      %get3A_225 = arith.index_cast %scan3A_222 : i32 to index
      %get3A_226 = arith.constant 0 : index
      %get3A_227 = tpu.vector_load %arg6[%get3A_224, %get3A_225, %get3A_226] {strides = array<i32>} : memref<3x200x128xf32, #tpu.memory_space<vmem>>, vector<1x1x16xf32>,
      %get3A_228 = vector.shape_cast %get3A_227 : vector<1x1x16xf32> to vector<16xf32>
      %add3A_229 = arith.addf %add3A_199, %get3A_228 : vector<16xf32>
      %get3A_230 = arith.constant 1 : i32
      %get3A_231 = arith.index_cast %get3A_230 : i32 to index
      %get3A_232 = arith.index_cast %scan3A_222 : i32 to index
      %get3A_233 = arith.constant 16 : index
      %get3A_234 = tpu.vector_load %arg6[%get3A_231, %get3A_232, %get3A_233] {strides = array<i32>} : memref<3x200x128xf32, #tpu.memory_space<vmem>>, vector<1x1x16xf32>,
      %get3A_235 = vector.shape_cast %get3A_234 : vector<1x1x16xf32> to vector<16xf32>
      %add3A_236 = arith.addf %add3A_206, %get3A_235 : vector<16xf32>
      %get3A_237 = arith.constant 1 : i32
      %get3A_238 = arith.index_cast %get3A_237 : i32 to index
      %get3A_239 = arith.index_cast %scan3A_222 : i32 to index
      %get3A_240 = arith.constant 32 : index
      %get3A_241 = tpu.vector_load %arg6[%get3A_238, %get3A_239, %get3A_240] {strides = array<i32>} : memref<3x200x128xf32, #tpu.memory_space<vmem>>, vector<1x1x16xf32>,
      %get3A_242 = vector.shape_cast %get3A_241 : vector<1x1x16xf32> to vector<16xf32>
      %add3A_243 = arith.addf %add3A_213, %get3A_242 : vector<16xf32>
      %get3A_244 = arith.constant 1 : i32
      %get3A_245 = arith.index_cast %get3A_244 : i32 to index
      %get3A_246 = arith.index_cast %scan3A_222 : i32 to index
      %get3A_247 = arith.constant 48 : index
      %get3A_248 = tpu.vector_load %arg6[%get3A_245, %get3A_246, %get3A_247] {strides = array<i32>} : memref<3x200x128xf32, #tpu.memory_space<vmem>>, vector<1x1x16xf32>,
      %get3A_249 = vector.shape_cast %get3A_248 : vector<1x1x16xf32> to vector<16xf32>
      %add3A_250 = arith.addf %add3A_220, %get3A_249 : vector<16xf32>
      %scan3A_251 = arith.constant 3 : i32
      %scan3A_252 = arith.addi %scan3A_159, %scan3A_251 : i32
      %get3A_253 = arith.constant 1 : i32
      %get3A_254 = arith.index_cast %get3A_253 : i32 to index
      %get3A_255 = arith.index_cast %scan3A_252 : i32 to index
      %get3A_256 = arith.constant 0 : index
      %get3A_257 = tpu.vector_load %arg6[%get3A_254, %get3A_255, %get3A_256] {strides = array<i32>} : memref<3x200x128xf32, #tpu.memory_space<vmem>>, vector<1x1x16xf32>,
      %get3A_258 = vector.shape_cast %get3A_257 : vector<1x1x16xf32> to vector<16xf32>
      %add3A_259 = arith.addf %add3A_229, %get3A_258 : vector<16xf32>
      %get3A_260 = arith.constant 1 : i32
      %get3A_261 = arith.index_cast %get3A_260 : i32 to index
      %get3A_262 = arith.index_cast %scan3A_252 : i32 to index
      %get3A_263 = arith.constant 16 : index
      %get3A_264 = tpu.vector_load %arg6[%get3A_261, %get3A_262, %get3A_263] {strides = array<i32>} : memref<3x200x128xf32, #tpu.memory_space<vmem>>, vector<1x1x16xf32>,
      %get3A_265 = vector.shape_cast %get3A_264 : vector<1x1x16xf32> to vector<16xf32>
      %add3A_266 = arith.addf %add3A_236, %get3A_265 : vector<16xf32>
      %get3A_267 = arith.constant 1 : i32
      %get3A_268 = arith.index_cast %get3A_267 : i32 to index
      %get3A_269 = arith.index_cast %scan3A_252 : i32 to index
      %get3A_270 = arith.constant 32 : index
      %get3A_271 = tpu.vector_load %arg6[%get3A_268, %get3A_269, %get3A_270] {strides = array<i32>} : memref<3x200x128xf32, #tpu.memory_space<vmem>>, vector<1x1x16xf32>,
      %get3A_272 = vector.shape_cast %get3A_271 : vector<1x1x16xf32> to vector<16xf32>
      %add3A_273 = arith.addf %add3A_243, %get3A_272 : vector<16xf32>
      %get3A_274 = arith.constant 1 : i32
      %get3A_275 = arith.index_cast %get3A_274 : i32 to index
      %get3A_276 = arith.index_cast %scan3A_252 : i32 to index
      %get3A_277 = arith.constant 48 : index
      %get3A_278 = tpu.vector_load %arg6[%get3A_275, %get3A_276, %get3A_277] {strides = array<i32>} : memref<3x200x128xf32, #tpu.memory_space<vmem>>, vector<1x1x16xf32>,
      %get3A_279 = vector.shape_cast %get3A_278 : vector<1x1x16xf32> to vector<16xf32>
      %add3A_280 = arith.addf %add3A_250, %get3A_279 : vector<16xf32>
      %scan3A_281 = arith.constant 4 : i32
      %scan3A_282 = arith.addi %scan3A_159, %scan3A_281 : i32
      %get3A_283 = arith.constant 1 : i32
      %get3A_284 = arith.index_cast %get3A_283 : i32 to index
      %get3A_285 = arith.index_cast %scan3A_282 : i32 to index
      %get3A_286 = arith.constant 0 : index
      %get3A_287 = tpu.vector_load %arg6[%get3A_284, %get3A_285, %get3A_286] {strides = array<i32>} : memref<3x200x128xf32, #tpu.memory_space<vmem>>, vector<1x1x16xf32>,
      %get3A_288 = vector.shape_cast %get3A_287 : vector<1x1x16xf32> to vector<16xf32>
      %add3A_289 = arith.addf %add3A_259, %get3A_288 : vector<16xf32>
      %get3A_290 = arith.constant 1 : i32
      %get3A_291 = arith.index_cast %get3A_290 : i32 to index
      %get3A_292 = arith.index_cast %scan3A_282 : i32 to index
      %get3A_293 = arith.constant 16 : index
      %get3A_294 = tpu.vector_load %arg6[%get3A_291, %get3A_292, %get3A_293] {strides = array<i32>} : memref<3x200x128xf32, #tpu.memory_space<vmem>>, vector<1x1x16xf32>,
      %get3A_295 = vector.shape_cast %get3A_294 : vector<1x1x16xf32> to vector<16xf32>
      %add3A_296 = arith.addf %add3A_266, %get3A_295 : vector<16xf32>
      %get3A_297 = arith.constant 1 : i32
      %get3A_298 = arith.index_cast %get3A_297 : i32 to index
      %get3A_299 = arith.index_cast %scan3A_282 : i32 to index
      %get3A_300 = arith.constant 32 : index
      %get3A_301 = tpu.vector_load %arg6[%get3A_298, %get3A_299, %get3A_300] {strides = array<i32>} : memref<3x200x128xf32, #tpu.memory_space<vmem>>, vector<1x1x16xf32>,
      %get3A_302 = vector.shape_cast %get3A_301 : vector<1x1x16xf32> to vector<16xf32>
      %add3A_303 = arith.addf %add3A_273, %get3A_302 : vector<16xf32>
      %get3A_304 = arith.constant 1 : i32
      %get3A_305 = arith.index_cast %get3A_304 : i32 to index
      %get3A_306 = arith.index_cast %scan3A_282 : i32 to index
      %get3A_307 = arith.constant 48 : index
      %get3A_308 = tpu.vector_load %arg6[%get3A_305, %get3A_306, %get3A_307] {strides = array<i32>} : memref<3x200x128xf32, #tpu.memory_space<vmem>>, vector<1x1x16xf32>,
      %get3A_309 = vector.shape_cast %get3A_308 : vector<1x1x16xf32> to vector<16xf32>
      %add3A_310 = arith.addf %add3A_280, %get3A_309 : vector<16xf32>
      %scan3A_311 = arith.constant 5 : i32
      %scan3A_312 = arith.addi %scan3A_159, %scan3A_311 : i32
      %get3A_313 = arith.constant 1 : i32
      %get3A_314 = arith.index_cast %get3A_313 : i32 to index
      %get3A_315 = arith.index_cast %scan3A_312 : i32 to index
      %get3A_316 = arith.constant 0 : index
      %get3A_317 = tpu.vector_load %arg6[%get3A_314, %get3A_315, %get3A_316] {strides = array<i32>} : memref<3x200x128xf32, #tpu.memory_space<vmem>>, vector<1x1x16xf32>,
      %get3A_318 = vector.shape_cast %get3A_317 : vector<1x1x16xf32> to vector<16xf32>
      %add3A_319 = arith.addf %add3A_289, %get3A_318 : vector<16xf32>
      %get3A_320 = arith.constant 1 : i32
      %get3A_321 = arith.index_cast %get3A_320 : i32 to index
      %get3A_322 = arith.index_cast %scan3A_312 : i32 to index
      %get3A_323 = arith.constant 16 : index
      %get3A_324 = tpu.vector_load %arg6[%get3A_321, %get3A_322, %get3A_323] {strides = array<i32>} : memref<3x200x128xf32, #tpu.memory_space<vmem>>, vector<1x1x16xf32>,
      %get3A_325 = vector.shape_cast %get3A_324 : vector<1x1x16xf32> to vector<16xf32>
      %add3A_326 = arith.addf %add3A_296, %get3A_325 : vector<16xf32>
      %get3A_327 = arith.constant 1 : i32
      %get3A_328 = arith.index_cast %get3A_327 : i32 to index
      %get3A_329 = arith.index_cast %scan3A_312 : i32 to index
      %get3A_330 = arith.constant 32 : index
      %get3A_331 = tpu.vector_load %arg6[%get3A_328, %get3A_329, %get3A_330] {strides = array<i32>} : memref<3x200x128xf32, #tpu.memory_space<vmem>>, vector<1x1x16xf32>,
      %get3A_332 = vector.shape_cast %get3A_331 : vector<1x1x16xf32> to vector<16xf32>
      %add3A_333 = arith.addf %add3A_303, %get3A_332 : vector<16xf32>
      %get3A_334 = arith.constant 1 : i32
      %get3A_335 = arith.index_cast %get3A_334 : i32 to index
      %get3A_336 = arith.index_cast %scan3A_312 : i32 to index
      %get3A_337 = arith.constant 48 : index
      %get3A_338 = tpu.vector_load %arg6[%get3A_335, %get3A_336, %get3A_337] {strides = array<i32>} : memref<3x200x128xf32, #tpu.memory_space<vmem>>, vector<1x1x16xf32>,
      %get3A_339 = vector.shape_cast %get3A_338 : vector<1x1x16xf32> to vector<16xf32>
      %add3A_340 = arith.addf %add3A_310, %get3A_339 : vector<16xf32>
      %scan3A_341 = arith.constant 6 : i32
      %scan3A_342 = arith.addi %scan3A_159, %scan3A_341 : i32
      %get3A_343 = arith.constant 1 : i32
      %get3A_344 = arith.index_cast %get3A_343 : i32 to index
      %get3A_345 = arith.index_cast %scan3A_342 : i32 to index
      %get3A_346 = arith.constant 0 : index
      %get3A_347 = tpu.vector_load %arg6[%get3A_344, %get3A_345, %get3A_346] {strides = array<i32>} : memref<3x200x128xf32, #tpu.memory_space<vmem>>, vector<1x1x16xf32>,
      %get3A_348 = vector.shape_cast %get3A_347 : vector<1x1x16xf32> to vector<16xf32>
      %add3A_349 = arith.addf %add3A_319, %get3A_348 : vector<16xf32>
      %get3A_350 = arith.constant 1 : i32
      %get3A_351 = arith.index_cast %get3A_350 : i32 to index
      %get3A_352 = arith.index_cast %scan3A_342 : i32 to index
      %get3A_353 = arith.constant 16 : index
      %get3A_354 = tpu.vector_load %arg6[%get3A_351, %get3A_352, %get3A_353] {strides = array<i32>} : memref<3x200x128xf32, #tpu.memory_space<vmem>>, vector<1x1x16xf32>,
      %get3A_355 = vector.shape_cast %get3A_354 : vector<1x1x16xf32> to vector<16xf32>
      %add3A_356 = arith.addf %add3A_326, %get3A_355 : vector<16xf32>
      %get3A_357 = arith.constant 1 : i32
      %get3A_358 = arith.index_cast %get3A_357 : i32 to index
      %get3A_359 = arith.index_cast %scan3A_342 : i32 to index
      %get3A_360 = arith.constant 32 : index
      %get3A_361 = tpu.vector_load %arg6[%get3A_358, %get3A_359, %get3A_360] {strides = array<i32>} : memref<3x200x128xf32, #tpu.memory_space<vmem>>, vector<1x1x16xf32>,
      %get3A_362 = vector.shape_cast %get3A_361 : vector<1x1x16xf32> to vector<16xf32>
      %add3A_363 = arith.addf %add3A_333, %get3A_362 : vector<16xf32>
      %get3A_364 = arith.constant 1 : i32
      %get3A_365 = arith.index_cast %get3A_364 : i32 to index
      %get3A_366 = arith.index_cast %scan3A_342 : i32 to index
      %get3A_367 = arith.constant 48 : index
      %get3A_368 = tpu.vector_load %arg6[%get3A_365, %get3A_366, %get3A_367] {strides = array<i32>} : memref<3x200x128xf32, #tpu.memory_space<vmem>>, vector<1x1x16xf32>,
      %get3A_369 = vector.shape_cast %get3A_368 : vector<1x1x16xf32> to vector<16xf32>
      %add3A_370 = arith.addf %add3A_340, %get3A_369 : vector<16xf32>
      %scan3A_371 = arith.constant 7 : i32
      %scan3A_372 = arith.addi %scan3A_159, %scan3A_371 : i32
      %get3A_373 = arith.constant 1 : i32
      %get3A_374 = arith.index_cast %get3A_373 : i32 to index
      %get3A_375 = arith.index_cast %scan3A_372 : i32 to index
      %get3A_376 = arith.constant 0 : index
      %get3A_377 = tpu.vector_load %arg6[%get3A_374, %get3A_375, %get3A_376] {strides = array<i32>} : memref<3x200x128xf32, #tpu.memory_space<vmem>>, vector<1x1x16xf32>,
      %get3A_378 = vector.shape_cast %get3A_377 : vector<1x1x16xf32> to vector<16xf32>
      %add3A_379 = arith.addf %add3A_349, %get3A_378 : vector<16xf32>
      %get3A_380 = arith.constant 1 : i32
      %get3A_381 = arith.index_cast %get3A_380 : i32 to index
      %get3A_382 = arith.index_cast %scan3A_372 : i32 to index
      %get3A_383 = arith.constant 16 : index
      %get3A_384 = tpu.vector_load %arg6[%get3A_381, %get3A_382, %get3A_383] {strides = array<i32>} : memref<3x200x128xf32, #tpu.memory_space<vmem>>, vector<1x1x16xf32>,
      %get3A_385 = vector.shape_cast %get3A_384 : vector<1x1x16xf32> to vector<16xf32>
      %add3A_386 = arith.addf %add3A_356, %get3A_385 : vector<16xf32>
      %get3A_387 = arith.constant 1 : i32
      %get3A_388 = arith.index_cast %get3A_387 : i32 to index
      %get3A_389 = arith.index_cast %scan3A_372 : i32 to index
      %get3A_390 = arith.constant 32 : index
      %get3A_391 = tpu.vector_load %arg6[%get3A_388, %get3A_389, %get3A_390] {strides = array<i32>} : memref<3x200x128xf32, #tpu.memory_space<vmem>>, vector<1x1x16xf32>,
      %get3A_392 = vector.shape_cast %get3A_391 : vector<1x1x16xf32> to vector<16xf32>
      %add3A_393 = arith.addf %add3A_363, %get3A_392 : vector<16xf32>
      %get3A_394 = arith.constant 1 : i32
      %get3A_395 = arith.index_cast %get3A_394 : i32 to index
      %get3A_396 = arith.index_cast %scan3A_372 : i32 to index
      %get3A_397 = arith.constant 48 : index
      %get3A_398 = tpu.vector_load %arg6[%get3A_395, %get3A_396, %get3A_397] {strides = array<i32>} : memref<3x200x128xf32, #tpu.memory_space<vmem>>, vector<1x1x16xf32>,
      %get3A_399 = vector.shape_cast %get3A_398 : vector<1x1x16xf32> to vector<16xf32>
      %add3A_400 = arith.addf %add3A_370, %get3A_399 : vector<16xf32>
      scf.yield %add3A_379, %add3A_386, %add3A_393, %add3A_400 : vector<16xf32>, vector<16xf32>, vector<16xf32>, vector<16xf32>
    }
    %scan3A_140 = arith.constant 200 : i32
    %swap3A_141 = arith.constant 8128 : index
    %swap3A_142 = tpu.vector_load %arg7[%swap3A_141] {strides = array<i32>} : memref<8192xf32, #tpu.memory_space<vmem>>, vector<16xf32>,
    %swap3A_143 = vector.shape_cast %swap3A_142 : vector<16xf32> to vector<16xf32>
    %swap3A_144 = vector.shape_cast %scan3A_139#0 : vector<16xf32> to vector<16xf32>
    tpu.vector_store %arg7[%swap3A_141], %swap3A_144 {strides = array<i32>} : memref<8192xf32, #tpu.memory_space<vmem>>, vector<16xf32>,
    %swap3A_145 = arith.constant 8144 : index
    %swap3A_146 = tpu.vector_load %arg7[%swap3A_145] {strides = array<i32>} : memref<8192xf32, #tpu.memory_space<vmem>>, vector<16xf32>,
    %swap3A_147 = vector.shape_cast %swap3A_146 : vector<16xf32> to vector<16xf32>
    %swap3A_148 = vector.shape_cast %scan3A_139#1 : vector<16xf32> to vector<16xf32>
    tpu.vector_store %arg7[%swap3A_145], %swap3A_148 {strides = array<i32>} : memref<8192xf32, #tpu.memory_space<vmem>>, vector<16xf32>,
    %swap3A_149 = arith.constant 8160 : index
    %swap3A_150 = tpu.vector_load %arg7[%swap3A_149] {strides = array<i32>} : memref<8192xf32, #tpu.memory_space<vmem>>, vector<16xf32>,
    %swap3A_151 = vector.shape_cast %swap3A_150 : vector<16xf32> to vector<16xf32>
    %swap3A_152 = vector.shape_cast %scan3A_139#2 : vector<16xf32> to vector<16xf32>
    tpu.vector_store %arg7[%swap3A_149], %swap3A_152 {strides = array<i32>} : memref<8192xf32, #tpu.memory_space<vmem>>, vector<16xf32>,
    %swap3A_153 = arith.constant 8176 : index
    %swap3A_154 = tpu.vector_load %arg7[%swap3A_153] {strides = array<i32>} : memref<8192xf32, #tpu.memory_space<vmem>>, vector<16xf32>,
    %swap3A_155 = vector.shape_cast %swap3A_154 : vector<16xf32> to vector<16xf32>
    %swap3A_156 = vector.shape_cast %scan3A_139#3 : vector<16xf32> to vector<16xf32>
    tpu.vector_store %arg7[%swap3A_153], %swap3A_156 {strides = array<i32>} : memref<8192xf32, #tpu.memory_space<vmem>>, vector<16xf32>,
    %mul3A_157 = arith.constant 8192 : i32
    %mul3A_158 = arith.muli %add3A, %mul3A_157 : i32
    "tpu.region"() ({
      %run_scoped3A = tpu.sem_alloc : memref<!tpu.dma_semaphore, #tpu.memory_space<semaphore_mem>>
      %dma_start3A_159 = tpu.memref_slice %arg4[%mul3A_158] : memref<262144xf32, #tpu.memory_space<hbm>> -> memref<8192xf32, #tpu.memory_space<hbm>>
      %dma_start3A_160 = tpu.memref_slice %arg4[%mul3A_158] : memref<262144xf32, #tpu.memory_space<hbm>> -> memref<8192xf32, #tpu.memory_space<hbm>>
      tpu.enqueue_dma source(%arg7 : memref<8192xf32, #tpu.memory_space<vmem>>) target(%dma_start3A_160 : memref<8192xf32, #tpu.memory_space<hbm>>) target_semaphore(%run_scoped3A : memref<!tpu.dma_semaphore, #tpu.memory_space<semaphore_mem>>)
      %dma_wait3A_161 = tpu.memref_slice %arg4[%mul3A_158] : memref<262144xf32, #tpu.memory_space<hbm>> -> memref<8192xf32, #tpu.memory_space<hbm>>
      %dma_wait3A_162 = tpu.memref_slice %arg4[%mul3A_158] : memref<262144xf32, #tpu.memory_space<hbm>> -> memref<8192xf32, #tpu.memory_space<hbm>>
      tpu.wait_dma2 semaphore(%run_scoped3A : memref<!tpu.dma_semaphore, #tpu.memory_space<semaphore_mem>>) src(%arg7 : memref<8192xf32, #tpu.memory_space<vmem>>) dst(%dma_wait3A_162 : memref<8192xf32, #tpu.memory_space<hbm>>)
      tpu.yield
    }) : () -> ()
    return
  }
}

module attributes {stable_mosaic.version = 14 : i64} {
  func.func @_widen_body(%arg0: i32, %arg1: memref<1000x8x64xf32, #tpu.memory_space<vmem>>, %arg2: memref<8000x128xf32, #tpu.memory_space<vmem>>) attributes {dimension_semantics = [#tpu.dimension_semantics<arbitrary>], iteration_bounds = array<i64: 125>, scalar_prefetch = 0 : i64, scratch_operands = 0 : i64, tpu.core_type = #tpu.core_type<tc>, window_params = [{transform_indices = @transform_0, window_bounds = array<i64: 1000, 8, 64>}, {transform_indices = @transform_1, window_bounds = array<i64: 8000, 128>}]} {
    %get3A = arith.constant 0 : index
    %get3A_0 = arith.constant 0 : index
    %get3A_1 = arith.constant 0 : index
    %get3A_2 = vector.load %arg1[%get3A, %get3A_0, %get3A_1] : memref<1000x8x64xf32, #tpu.memory_space<vmem>>, vector<1000x8x64xf32>
    %reshape3A = vector.shape_cast %get3A_2 : vector<1000x8x64xf32> to vector<8000x64xf32>
    %concatenate3A = tpu.concatenate %reshape3A, %reshape3A in 1 : vector<8000x64xf32>, vector<8000x64xf32> -> vector<8000x128xf32>
    %swap3A = arith.constant 0 : index
    %swap3A_3 = arith.constant 0 : index
    %swap3A_4 = vector.load %arg2[%swap3A, %swap3A_3] : memref<8000x128xf32, #tpu.memory_space<vmem>>, vector<8000x128xf32>
    tpu.vector_store %arg2[%swap3A, %swap3A_3], %concatenate3A {strides = array<i32>} : memref<8000x128xf32, #tpu.memory_space<vmem>>, vector<8000x128xf32>,
    return
  }
  func.func @transform_0(%arg0: i32) -> (i32, i32, i32) {
    %c0_i32 = arith.constant 0 : i32
    %c0_i32_0 = arith.constant 0 : i32
    %c0_i32_1 = arith.constant 0 : i32
    return %arg0, %c0_i32, %c0_i32_0 : i32, i32, i32
  }
  func.func @transform_1(%arg0: i32) -> (i32, i32) {
    %c0_i32 = arith.constant 0 : i32
    %c0_i32_0 = arith.constant 0 : i32
    return %arg0, %c0_i32 : i32, i32
  }
}

module attributes {stable_mosaic.version = 14 : i64} {
  func.func @_head_body(%arg0: i32, %arg1: memref<1024x64xf32, #tpu.memory_space<vmem>>, %arg2: memref<128x64xf32, #tpu.memory_space<vmem>>, %arg3: memref<1x128xf32, #tpu.memory_space<vmem>>, %arg4: memref<1024x128xf32, #tpu.memory_space<vmem>>) attributes {dimension_semantics = [#tpu.dimension_semantics<arbitrary>], iteration_bounds = array<i64: 4>, scalar_prefetch = 0 : i64, scratch_operands = 0 : i64, tpu.core_type = #tpu.core_type<tc>, window_params = [{transform_indices = @transform_0, window_bounds = array<i64: 1024, 64>}, {pipeline_mode = #tpu.pipeline_mode<synchronous>, transform_indices = @transform_1, window_bounds = array<i64: 128, 64>}, {pipeline_mode = #tpu.pipeline_mode<synchronous>, transform_indices = @transform_2, window_bounds = array<i64: 1, 128>}, {transform_indices = @transform_3, window_bounds = array<i64: 1024, 128>}]} {
    %get3A = arith.constant 0 : index
    %get3A_0 = arith.constant 0 : index
    %get3A_1 = vector.load %arg1[%get3A, %get3A_0] : memref<1024x64xf32, #tpu.memory_space<vmem>>, vector<1024x64xf32>
    %mul3A = arith.constant 5.000000e-03 : f32
    %mul3A_2 = vector.broadcast %mul3A : f32 to vector<1024x64xf32>
    %mul3A_3 = arith.mulf %get3A_1, %mul3A_2 : vector<1024x64xf32>
    %get3A_4 = arith.constant 0 : index
    %get3A_5 = arith.constant 0 : index
    %get3A_6 = vector.load %arg2[%get3A_4, %get3A_5] : memref<128x64xf32, #tpu.memory_space<vmem>>, vector<128x64xf32>
    %dot_general3A = arith.constant dense<0.000000e+00> : vector<1024x128xf32>
    %dot_general3A_7 = tpu.matmul %mul3A_3, %get3A_6, %dot_general3A {dimension_numbers = #tpu.dot_dimension_numbers<[1], [1], [0], [0], [0, 0, 1, 0], [], []>, transpose_lhs_hint = false} : vector<1024x64xf32>, vector<128x64xf32>, vector<1024x128xf32> -> vector<1024x128xf32>
    %get3A_8 = arith.constant 0 : index
    %get3A_9 = arith.constant 0 : index
    %get3A_10 = vector.load %arg3[%get3A_8, %get3A_9] : memref<1x128xf32, #tpu.memory_space<vmem>>, vector<1x128xf32>
    %add3A = vector.broadcast %get3A_10 : vector<1x128xf32> to vector<1024x128xf32>
    %add3A_11 = arith.addf %dot_general3A_7, %add3A : vector<1024x128xf32>
    %mul3A_12 = arith.mulf %add3A_11, %add3A_11 : vector<1024x128xf32>
    %reduce_sum3A = arith.constant dense<0.000000e+00> : vector<1024xf32>
    %reduce_sum3A_13 = vector.multi_reduction <add>, %mul3A_12, %reduce_sum3A [1] : vector<1024x128xf32> to vector<1024xf32>
    %broadcast_in_dim3A = vector.shape_cast %reduce_sum3A_13 : vector<1024xf32> to vector<1024x1xf32>
    %sqrt3A = math.sqrt %broadcast_in_dim3A : vector<1024x1xf32>
    %max3A = arith.constant 9.99999996E-13 : f32
    %max3A_14 = vector.broadcast %max3A : f32 to vector<1024x1xf32>
    %max3A_15 = arith.maximumf %sqrt3A, %max3A_14 : vector<1024x1xf32>
    %div3A = vector.broadcast %max3A_15 : vector<1024x1xf32> to vector<1024x128xf32>
    %div3A_16 = arith.divf %add3A_11, %div3A : vector<1024x128xf32>
    %swap3A = arith.constant 0 : index
    %swap3A_17 = arith.constant 0 : index
    %swap3A_18 = vector.load %arg4[%swap3A, %swap3A_17] : memref<1024x128xf32, #tpu.memory_space<vmem>>, vector<1024x128xf32>
    tpu.vector_store %arg4[%swap3A, %swap3A_17], %div3A_16 {strides = array<i32>} : memref<1024x128xf32, #tpu.memory_space<vmem>>, vector<1024x128xf32>,
    return
  }
  func.func @transform_0(%arg0: i32) -> (i32, i32) {
    %c0_i32 = arith.constant 0 : i32
    %c0_i32_0 = arith.constant 0 : i32
    return %arg0, %c0_i32 : i32, i32
  }
  func.func @transform_1(%arg0: i32) -> (i32, i32) {
    %c0_i32 = arith.constant 0 : i32
    %c0_i32_0 = arith.constant 0 : i32
    %c0_i32_1 = arith.constant 0 : i32
    return %c0_i32, %c0_i32_0 : i32, i32
  }
  func.func @transform_2(%arg0: i32) -> (i32, i32) {
    %c0_i32 = arith.constant 0 : i32
    %c0_i32_0 = arith.constant 0 : i32
    %c0_i32_1 = arith.constant 0 : i32
    return %c0_i32, %c0_i32_0 : i32, i32
  }
  func.func @transform_3(%arg0: i32) -> (i32, i32) {
    %c0_i32 = arith.constant 0 : i32
    %c0_i32_0 = arith.constant 0 : i32
    return %arg0, %c0_i32 : i32, i32
  }
}

</mosaic_0001>

<sc_bundles>
// kernel: kernel.5.cloned.1.call-start
scs
__scs_entry_jumppad:
0x0: {  	(pc) =	sbr.rel $0x88, $3  }
0x1: {  	(tag) =	ssettag $0x0;
	lr =	simm.s32 $0x1  }
0x2: {  	[smem:$0x3F9D] =	sst lr;
	_ =	strace $0xD0000000  }
0x3: {  	_ = 	snop  }
0x4: {  	_ = 	snop  }
0x5: {  	_ = 	snop  }
0x6: {  	_ = 	snop  }
0x7: {  	_ = 	snop  }
__scs_overlays_trampoline_lowered:
0x8: {  	[smem:$0x3FAC] =	sst s0  }
0x9: {  	[smem:$0x3FAD] =	sst s1  }
0xa: {  	[smem:$0x3FAE] =	sst s2  }
0xb: {  	[smem:$0x3FAF] =	sst s3  }
0xc: {  	[smem:$0x3FB0] =	sst s4  }
0xd: {  	[smem:$0x3FB1] =	sst s5  }
0xe: {  	[smem:$0x3FB2] =	sst s6  }
0xf: {  	[smem:$0x3FB3] =	sst s7  }
0x10: {  	[smem:$0x3FB4] =	sst s8  }
0x11: {  	[smem:$0x3FB5] =	sst s9;
	s0 =	simm.s32 @!p0 $0x0  }
0x12: {  	s1 =	sld [smem:$0x3F9B];
	s0 =	simm.s32 @p0 $0x1  }
0x13: {  	[smem:$0x3FB6] =	sst s0;
	s0 =	simm.s32 @!p1 $0x0  }
0x14: {  	s2 =	sld [smem:$0x3F9A];
	s0 =	simm.s32 @p1 $0x1  }
0x15: {  	[smem:$0x3FB7] =	sst s0;
	s0 =	simm.s32 @!p2 $0x0  }
0x16: {  	s3 =	sld [smem:$0x3FDB];
	s0 =	simm.s32 @p2 $0x1  }
0x17: {  	s4 =	simm.s32 $0x1BF5;
	[smem:$0x3FB9] =	sst s0  }
0x18: {  	s0 =	sld [smem:$0x3F9C];
	_ =	swait.ge [sflag:s4], $0x0  }
0x19: {  	s7 =	sld [smem:$0x3F9D]  }
0x1a: {  	s8 =	sadd.s32 $0xFFFFE003, lr  }
0x1b: {  	s9 =	sadd.s32 $0xFFFFFEF7, lr;
	s5 =	simm.s32 $0xFFFFFFFF;
	p2 =	slt.u32 s8, $0xFFFFF086  }
0x1c: {  	p1 =	slt.u32 s9, $0xF7A;
	s5 =	simm.s32 @!p2 $0x0  }
0x1d: {  	s5 =	simm.s32 @p1 $0x1;
	p0 =	seq.s32 s7, s2  }
0x1e: {  	s7 =	smul.u32 @!p0 $0xF7A, s2;
	p2 =	seq.s32 @!p0 s5, $0x0  }
0x1f: {  	s9 =	smul.u32 $0xF7A, s1;
	s8 =	simm.s32 @!p0 $0x1BF5;
	p2 =	por !p2, p0  }
0x20: {  	[sflag:s8] =	ssyncset.s32 @!p0 $0xFFFFF086;
	s6 =	sadd.s32 @!p0 s3, s7;
	s7 =	simm.s32 @!p0 $0x108  }
0x21: {  	s3 =	sadd.s32 s3, s9;
	s6 =	sadd.s32 @!p0 $0x88, s6;
	s7 =	simm.s32 @p2 $0x1082  }
0x22: {  	[simem:s7], [sflag:s8] =	dma.local @!p0 [hbm:s6], $0xF7A  }
0x23: {  	s9 =	sor.u32 $0xD0000000, s2;
	s6 =	simm.s32 $0x108;
	_ =	swait.ge @!p0 [sflag:s8], $0x0  }
0x24: {  	s3 =	sadd.s32 $0x88, s3;
	s6 =	simm.s32 @!p1 $0x1082;
	[sflag:s4] =	ssyncset.s32 $0xFFFFF086  }
0x25: {  	[simem:s6], [sflag:s4] =	dma.local [hbm:s3], $0xF7A  }
0x26: {  	[smem:$0x3F9D] =	sst s1;
	(tag) =	ssettag s2;
	_ =	strace s9  }
0x27: {  	s1 =	sld [smem:$0x3FAD]  }
0x28: {  	s2 =	sld [smem:$0x3FAE]  }
0x29: {  	s4 =	sld [smem:$0x3FB0]  }
0x2a: {  	p0 =	seq.s32 s5, $0x0;
	s5 =	sld [smem:$0x3FB1]  }
0x2b: {  	s6 =	sld [smem:$0x3FB2]  }
0x2c: {  	s7 =	sld [smem:$0x3FB3]  }
0x2d: {  	s3 =	simm.s32 $0x108;
	s8 =	sld [smem:$0x3FB4]  }
0x2e: {  	s3 =	simm.s32 @!p0 $0x1082;
	s9 =	sld [smem:$0x3FB5]  }
0x2f: {  	lr =	sadd.s32 s0, s3;
	s0 =	sld [smem:$0x3FAC]  }
0x30: {  	s3 =	sld [smem:$0x3FAF]  }
0x31: {  	[smem:$0x3FB8] =	sst s10  }
0x32: {  	s10 =	sld [smem:$0x3FB6];
	_ =	sdelay $0x3  }
0x33: {  	p0 =	seq.s32 s10, $0x1;
	s10 =	sld [smem:$0x3FB8];
	_ =	sdelay $0x3  }
0x34: {  	[smem:$0x3FB8] =	sst s10  }
0x35: {  	s10 =	sld [smem:$0x3FB7];
	_ =	sdelay $0x3  }
0x36: {  	p1 =	seq.s32 s10, $0x1;
	s10 =	sld [smem:$0x3FB8];
	_ =	sdelay $0x3  }
0x37: {  	[smem:$0x3FB8] =	sst s10  }
0x38: {  	s10 =	sld [smem:$0x3FB9]  }
0x39: {  	_ = 	snop;
	(pc) =	sbr.ind lr, $3  }
0x3a: {  	_ = 	snop  }
0x3b: {  	_ = 	snop  }
0x3c: {  	p2 =	seq.s32 s10, $0x1;
	s10 =	sld [smem:$0x3FB8]  }
0x3d: {  	_ =	shalt  }
0x3e: {  	_ =	shalt  }
0x3f: {  	_ =	shalt  }
0x40: {  	_ =	shalt  }
0x41: {  	_ =	shalt  }
0x42: {  	_ =	shalt  }
0x43: {  	_ =	shalt  }
0x44: {  	_ =	shalt  }
0x45: {  	_ =	shalt  }
0x46: {  	_ =	shalt  }
0x47: {  	_ =	shalt  }
0x48: {  	_ =	shalt  }
0x49: {  	_ =	shalt  }
0x4a: {  	_ =	shalt  }
0x4b: {  	_ =	shalt  }
0x4c: {  	_ =	shalt  }
0x4d: {  	_ =	shalt  }
0x4e: {  	_ =	shalt  }
0x4f: {  	_ =	shalt  }
0x50: {  	_ =	shalt  }
0x51: {  	_ =	shalt  }
0x52: {  	_ =	shalt  }
0x53: {  	_ =	shalt  }
0x54: {  	_ =	shalt  }
0x55: {  	_ =	shalt  }
0x56: {  	_ =	shalt  }
0x57: {  	_ =	shalt  }
0x58: {  	_ =	shalt  }
0x59: {  	_ =	shalt  }
0x5a: {  	_ =	shalt  }
0x5b: {  	_ =	shalt  }
0x5c: {  	_ =	shalt  }
0x5d: {  	_ =	shalt  }
0x5e: {  	_ =	shalt  }
0x5f: {  	_ =	shalt  }
0x60: {  	_ =	shalt  }
0x61: {  	_ =	shalt  }
0x62: {  	_ =	shalt  }
0x63: {  	_ =	shalt  }
0x64: {  	_ =	shalt  }
0x65: {  	_ =	shalt  }
0x66: {  	_ =	shalt  }
0x67: {  	_ =	shalt  }
0x68: {  	_ =	shalt  }
0x69: {  	_ =	shalt  }
0x6a: {  	_ =	shalt  }
0x6b: {  	_ =	shalt  }
0x6c: {  	_ =	shalt  }
0x6d: {  	_ =	shalt  }
0x6e: {  	_ =	shalt  }
0x6f: {  	_ =	shalt  }
0x70: {  	_ =	shalt  }
0x71: {  	_ =	shalt  }
0x72: {  	_ =	shalt  }
0x73: {  	_ =	shalt  }
0x74: {  	_ =	shalt  }
0x75: {  	_ =	shalt  }
0x76: {  	_ =	shalt  }
0x77: {  	_ =	shalt  }
0x78: {  	_ =	shalt  }
0x79: {  	_ =	shalt  }
0x7a: {  	_ =	shalt  }
0x7b: {  	_ =	shalt  }
0x7c: {  	_ =	shalt  }
0x7d: {  	_ =	shalt  }
0x7e: {  	_ =	shalt  }
0x7f: {  	_ =	shalt  }
0x80: {  	_ =	shalt  }
0x81: {  	_ =	shalt  }
0x82: {  	_ =	shalt  }
0x83: {  	_ =	shalt  }
0x84: {  	_ =	shalt  }
0x85: {  	_ =	shalt  }
0x86: {  	_ =	shalt  }
0x87: {  	_ =	shalt  }
.Lfunc_end0:
.L_simem_size_0:
called_computation_lowered:
.L_overlay_start_0:
0x88: {  	s2 =	sld [smem:$0x3FD9]  }
0x89: {  	s3 =	sld [smem:$0x3FFE];
	_ =	sdelay $0x1  }
0x8a: {  	s1 =	srdreg.scid  }
0x8b: {  	s0 =	sand.u32 $0x1, s1  }
0x8c: {  	s17 =	sshll.u32 s0, $0xA;
	s2 =	sadd.s32 s3, s2  }
0x8d: {  	s2 =	sadd.s32 s2, s17  }
0x8e: {  	[smem:$0x3FC4] =	sst s2  }
0x8f: {  	_ = 	snop  }
0x90: {  	s2 =	sld [smem:$0x3FD0];
	(tm) =	ssettm $0x1  }
0x91: {  	s18 =	sld [smem:$0x3FFB];
	_ =	sdelay $0x3  }
0x92: {  	_ =	strace s18  }
0x93: {  	s3 =	sld [smem:$0x3FFC];
	_ =	sdelay $0x3  }
0x94: {  	_ =	strace s3  }
0x95: {  	s3 =	sld [smem:$0x3FFD];
	_ =	sdelay $0x3  }
0x96: {  	_ =	strace s3  }
0x97: {  	_ =	strace $0x8FFFFFFF  }
0x98: {  	s19 =	sld [smem:$0x3FDB];
	_ =	sdelay $0x1  }
0x99: {  	s4 =	simm.s32 $_scs_section_size  }
0x9a: {  	s5 =	simm.s32 $_size__tile_overlayer_lowered;
	s6 =	simm.s32 $_tile_overlayer_lowered  }
0x9b: {  	s22 =	simm.s32 $0x1BFF;
	s21 =	sshll.u32 s6, $0x1;
	s3 =	sadd.s32 s4, s19  }
0x9c: {  	s7 =	simm.s32 $0x0;
	s20 =	sshll.u32 s5, $0x1;
	s5 =	sadd.s32 s21, s3  }
0x9d: {  	[timem:s7], [sflag:s22] =	dma.local [hbm:s5], s20  }
0x9e: {  	_ =	swait.ge [sflag:s22], s20  }
0x9f: {  	s4 =	ssub.s32 $0x0, s20;
	[sflag:s22] =	ssyncset.done $0x0  }
0xa0: {  	[sflag:s22] =	ssyncadd.s32 s4;
	_ =	sdelay $0x1  }
0xa1: {  	s23 =	simm.s32 $0x1B8B  }
0xa2: {  	_ =	swait.ge [sflag:s23], $0x1  }
0xa3: {  	[sflag:s23] =	ssyncset.done $0x0  }
0xa4: {  	s25 =	simm.s32 $0x1B8E;
	s24 =	sld [smem:$0x3FFE];
	[sflag:s23] =	ssyncadd.s32 $0xFFFFFFFF  }
0xa5: {  	s26 =	simm.s32 $execute0_lowered;
	[smem:$0x3FD2] =	sst s25  }
0xa6: {  	s5 =	sshll.u32 s26, $0x1;
	_ =	strace $0x80000046;
	[dreg:$0x1] =	wrdreg $0xFFFFFFFF  }
0xa7: {  	s28 =	simm.s32 $_size_execute0_lowered;
	s3 =	sadd.s32 s3, s5;
	[dreg:$0x0] =	wrdreg $0x0  }
0xa8: {  	s5 =	sshll.u32 s28, $0x1;
	[dreg:$0x2] =	wrdreg s3  }
0xa9: {  	[dreg:$0x3] =	wrdreg s5  }
0xaa: {  	[dreg:$0x4] =	wrdreg $0xC0  }
0xab: {  	_ =	task [dreg:s7], $0x5FFFF  }
0xac: {  	[dreg:$0x1] =	wrdreg $0xFFFFFFFF  }
0xad: {  	[dreg:$0x0] =	wrdreg $0x60  }
0xae: {  	[dreg:$0x2] =	wrdreg s24  }
0xaf: {  	[dreg:$0x3] =	wrdreg s2  }
0xb0: {  	[dreg:$0x4] =	wrdreg $0x9  }
0xb1: {  	_ =	task.clear_ibuf [dreg:s7], $0x5FFFF;
	_ =	strace $0x90000046  }
0xb2: {  	s29 =	simm.s32 $0x9;
	_ =	strace $0x80000048  }
0xb3: {  	_ =	swait.ge [sflag:s29], $0x1  }
0xb4: {  	[sflag:s29] =	ssyncadd.s32 $0xFFFFFFFF  }
0xb5: {  	_ =	strace $0x90000048  }
0xb6: {  	_ =	sfence  }
0xb7: {  	s30 =	sld [smem:$0x0];
	_ =	sdelay $0x2  }
0xb8: {  	s31 =	sshll.u32 s1, $0xD;
	s1 =	sshrl.u32 s1, $0x2  }
0xb9: {  	s3 =	sand.u32 $0x4000, s31;
	s1 =	sadd.s32 s1, s30  }
0xba: {  	s0 =	sor.u32 s3, s0;
	s1 =	sshll.u32 s1, $0x11  }
0xbb: {  	s0 =	sor.u32 s1, s0  }
0xbc: {  	s0 =	sadd.s32 $0x8F2B, s0  }
0xbd: {  	[sflag:s0] =	ssyncadd.remote.s32 $0x1  }
0xbe: {  	_ =	sfence.sel $0xFFFF  }
0xbf: {  	[dreg:$0x0] =	wrdreg $0xFFFFFFFF;
	(pc) =	sbr.abs _section_cstart, $3  }
0xc0: {  	[dreg:$0x1] =	wrdreg $0xFFFFFFFF  }
0xc1: {  	_ =	task.clear_ibuf [dreg:s7], $0x2FFFF;
	_ =	strace $0x9FFFFFFF  }
0xc2: {  	(tm) =	ssettm $0x7FFFFFFF  }
0xc3: {  	_ =	shalt  }
tec
execute0_lowered:
.L_overlay_start_1:
0x0: {  	(tag) =	ssettag $0x1  }
0x1: {  	s1 =	srdreg.scid  }
0x2: {  	s0 =	stileid.u32;
	s3 =	rddreg [dreg:$0x0]  }
0x3: {  	s5 =	rddreg [dreg:$0x1];
	s2 =	simm.s32 $0x0;
	s9 =	simm.s32 $0x6400  }
0x4: {  	s10 =	simm.s32 $0x60;
	s11 =	simm.s32 $0x9800;
	s12 =	simm.s32 $0xC8  }
0x5: {  	s13 =	simm.s32 $0xC800;
	s14 =	simm.s32 $0x130;
	s15 =	simm.s32 $0xFC00  }
0x6: {  	s16 =	simm.s32 $0x190;
	s17 =	simm.s32 $0x12C00;
	s18 =	simm.s32 $0x1F8  }
0x7: {  	s19 =	simm.s32 $0x16000;
	s20 =	simm.s32 $0x1;
	s21 =	simm.s32 $0x2  }
0x8: {  	s22 =	simm.s32 $0x3;
	s23 =	simm.s32 $0x19000;
	s24 =	simm.s32 $0x0  }
0x9: {  	s4 =	sand.u32 $0x1, s1;
	s31 =	sshll.u32 s0, $0x1;
	s1 =	rddreg [dreg:$0x2]  }
0xa: {  	[smem:$0x7FF] =	sst s2;
	s6 =	sor.u32 s4, s31;
	s4 =	ssub.s32 $0x2, s4  }
0xb: {  	s7 =	smul.u32 $0xC80, s6;
	s8 =	sshrl.u32 s4, $0x1;
	s6 =	sshll.u32 s6, $0xA  }
0xc: {  	_ =	strace $0x80000047;
	s8 =	ssub.s32 s4, s8;
	s5 =	sadd.s32 s5, s6  }
0xd: {  	s7 =	sadd.s32 s7, s3;
	s3 =	sadd.s32 $0xF42E00, s3;
	s6 =	smax.u32 s8, $0x1  }
0xe: {  	s8 =	simm.s32 $0x68;
	s4 =	sadd.s32 $0xA00, s7;
	s7 =	simm.s32 $0x4  }
.LBB2_1:
0xf: {  	[tilespmem:s2], [sflag:$0x4] =	stream.linear.gather [hbm4b:s4+s2], $0x6400, $0x38;
	[tilespmem:$0x1B000] =	vst v63  }
0x10: {  	_ =	swait.ge [sflag:s7], $0x6400  }
0x11: {  	[sflag:s7] =	ssyncset.done $0x0  }
0x12: {  	[sflag:s7] =	ssyncadd.s32 $0xFFFF9C00  }
0x13: {  	[tilespmem:s9], [sflag:$0x1] =	stream.indirect.gather [hbm4b:s3+s8], $0x80, s2, s8, $0xb8;
	[tilespmem:$0x1B000] =	vst v63  }
0x14: {  	_ = 	snop  }
0x15: {  	[tilespmem:s11], [sflag:$0x1] =	stream.indirect.gather [hbm4b:s3+s10], $0x80, s8, s10, $0xb8;
	[tilespmem:$0x1B000] =	vst v63  }
0x16: {  	_ = 	snop  }
0x17: {  	[tilespmem:s13], [sflag:$0x2] =	stream.indirect.gather [hbm4b:s3+s8], $0x80, s12, s8, $0xb8;
	[tilespmem:$0x1B000] =	vst v63  }
0x18: {  	_ = 	snop  }
0x19: {  	[tilespmem:s15], [sflag:$0x2] =	stream.indirect.gather [hbm4b:s3+s10], $0x80, s14, s10, $0xb8;
	[tilespmem:$0x1B000] =	vst v63  }
0x1a: {  	_ = 	snop  }
0x1b: {  	[tilespmem:s17], [sflag:$0x3] =	stream.indirect.gather [hbm4b:s3+s8], $0x80, s16, s8, $0xb8;
	[tilespmem:$0x1B000] =	vst v63  }
0x1c: {  	s25 =	simm.s32 $0x0  }
0x1d: {  	[tilespmem:s19], [sflag:$0x3] =	stream.indirect.gather [hbm4b:s3+s10], $0x80, s18, s10, $0xb8;
	[tilespmem:$0x1B000] =	vst v63  }
.LBB2_2:
0x1e: {  	_ =	swait.ge [sflag:s20], $0x3400  }
0x1f: {  	[sflag:s20] =	ssyncset.done $0x0  }
0x20: {  	[sflag:s20] =	ssyncadd.s32 $0xFFFFCC00  }
0x21: {  	_ =	swait.ge [sflag:s20], $0x3000  }
0x22: {  	[sflag:s20] =	ssyncset.done $0x0  }
0x23: {  	s28 =	simm.s32 $0x6600;
	[sflag:s20] =	ssyncadd.s32 $0xFFFFD000  }
0x24: {  	v0 =	vld [tilespmem:s28+$0x180]  }
0x25: {  	v1 =	vld [tilespmem:s28+$0x190]  }
0x26: {  	v2 =	vld [tilespmem:s28+$0x100]  }
0x27: {  	v3 =	vld [tilespmem:s28+$0x110]  }
0x28: {  	v9 =	vld [tilespmem:s28+$0x80]  }
0x29: {  	v12 =	vld [tilespmem:s28+$0x90]  }
0x2a: {  	v6 =	vld [tilespmem:s28+$0x0]  }
0x2b: {  	v8 =	vld [tilespmem:s28+$0x10]  }
0x2c: {  	v5 =	vld [tilespmem:s28+$0xFFFFFF80]  }
0x2d: {  	v7 =	vld [tilespmem:s28+$0xFFFFFF90]  }
0x2e: {  	v4 =	vld [tilespmem:s28+$0xFFFFFF00]  }
0x2f: {  	v10 =	vld [tilespmem:s28+$0xFFFFFF10]  }
0x30: {  	v11 =	vld [tilespmem:s28+$0xFFFFFE80]  }
0x31: {  	v13 =	vld [tilespmem:s28+$0xFFFFFE90]  }
0x32: {  	v14 =	vld [tilespmem:s28+$0xFFFFFE00]  }
0x33: {  	v15 =	vld [tilespmem:s28+$0xFFFFFE10]  }
0x34: {  	v16 =	vld [tilespmem:s28+$0xFFFFFE20]  }
0x35: {  	v17 =	vld [tilespmem:s28+$0xFFFFFE30]  }
0x36: {  	v18 =	vld [tilespmem:s28+$0xFFFFFEA0]  }
0x37: {  	v19 =	vld [tilespmem:s28+$0xFFFFFEB0]  }
0x38: {  	v20 =	vimm.f32 $0.0e+00;
	v21 =	vld [tilespmem:s28+$0xFFFFFF20]  }
0x39: {  	v22 =	vld [tilespmem:s28+$0xFFFFFF30];
	v14 =	vadd.f32 v14, v20;
	v15 =	vadd.f32 v15, v20  }
0x3a: {  	v59 =	vld [tilespmem:s28+$0xFFFFFFA0];
	v16 =	vadd.f32 v16, v20;
	v17 =	vadd.f32 v17, v20  }
0x3b: {  	v11 =	vadd.f32 v11, v14;
	v13 =	vadd.f32 v13, v15;
	v14 =	vld [tilespmem:s28+$0xFFFFFFB0]  }
0x3c: {  	v61 =	vld [tilespmem:s28+$0x20];
	v15 =	vadd.f32 v18, v16;
	v60 =	vadd.f32 v19, v17  }
0x3d: {  	v11 =	vadd.f32 v4, v11;
	v10 =	vadd.f32 v10, v13;
	v13 =	vld [tilespmem:s28+$0x30]  }
0x3e: {  	v15 =	vadd.f32 v21, v15;
	v16 =	vadd.f32 v22, v60;
	v4 =	vld [tilespmem:s28+$0xA0]  }
0x3f: {  	v11 =	vadd.f32 v5, v11;
	v10 =	vadd.f32 v7, v10;
	v7 =	vld [tilespmem:s28+$0xB0]  }
0x40: {  	v15 =	vadd.f32 v59, v15;
	v5 =	vld [tilespmem:s28+$0x120];
	v14 =	vadd.f32 v14, v16  }
0x41: {  	v62 =	vadd.f32 v6, v11;
	v63 =	vadd.f32 v8, v10;
	v8 =	vld [tilespmem:s28+$0x130]  }
0x42: {  	v11 =	vadd.f32 v61, v15;
	v6 =	vld [tilespmem:s28+$0x1A0];
	v10 =	vadd.f32 v13, v14  }
0x43: {  	s26 =	simm.s32 $0x0;
	v13 =	vadd.f32 v9, v62;
	v12 =	vadd.f32 v12, v63;
	v9 =	vld [tilespmem:s28+$0x1B0];
	s28 =	simm.s32 $0x6A00  }
.LBB2_3:
0x44: {  	v14 =	vld [tilespmem:s28+$0x180];
	v4 =	vadd.f32 v4, v11;
	v7 =	vadd.f32 v7, v10  }
0x45: {  	v10 =	vld [tilespmem:s28+$0x190];
	v11 =	vadd.f32 v2, v13;
	v12 =	vadd.f32 v3, v12  }
0x46: {  	v2 =	vld [tilespmem:s28+$0x100];
	v4 =	vadd.f32 v5, v4;
	v5 =	vadd.f32 v8, v7  }
0x47: {  	v3 =	vld [tilespmem:s28+$0x110];
	v7 =	vadd.f32 v0, v11;
	v8 =	vadd.f32 v1, v12  }
0x48: {  	v12 =	vld [tilespmem:s28+$0x80];
	v4 =	vadd.f32 v6, v4;
	v5 =	vadd.f32 v9, v5  }
0x49: {  	v9 =	vld [tilespmem:s28+$0x90];
	v0 =	vmov v14  }
0x4a: {  	v6 =	vld [tilespmem:s28+$0x0];
	v1 =	vmov v10  }
0x4b: {  	v10 =	vld [tilespmem:s28+$0x10]  }
0x4c: {  	v11 =	vld [tilespmem:s28+$0xFFFFFF80]  }
0x4d: {  	v13 =	vld [tilespmem:s28+$0xFFFFFF90]  }
0x4e: {  	v14 =	vld [tilespmem:s28+$0xFFFFFF00]  }
0x4f: {  	v15 =	vld [tilespmem:s28+$0xFFFFFF10]  }
0x50: {  	v16 =	vld [tilespmem:s28+$0xFFFFFE80]  }
0x51: {  	v17 =	vld [tilespmem:s28+$0xFFFFFE90]  }
0x52: {  	v18 =	vld [tilespmem:s28+$0xFFFFFE00]  }
0x53: {  	v19 =	vld [tilespmem:s28+$0xFFFFFE10]  }
0x54: {  	v20 =	vld [tilespmem:s28+$0xFFFFFE20]  }
0x55: {  	s26 =	sadd.s32 $0x8, s26;
	v21 =	vld [tilespmem:s28+$0xFFFFFE30]  }
0x56: {  	p0 =	slt.u32 s26, $0xC0;
	v22 =	vld [tilespmem:s28+$0xFFFFFEA0]  }
0x57: {  	v23 =	vld [tilespmem:s28+$0xFFFFFEB0]  }
0x58: {  	v24 =	vld [tilespmem:s28+$0xFFFFFF20]  }
0x59: {  	v7 =	vadd.f32 v18, v7;
	v8 =	vadd.f32 v19, v8;
	v18 =	vld [tilespmem:s28+$0xFFFFFF30]  }
0x5a: {  	v4 =	vadd.f32 v20, v4;
	v5 =	vadd.f32 v21, v5;
	v19 =	vld [tilespmem:s28+$0xFFFFFFA0]  }
0x5b: {  	v7 =	vadd.f32 v16, v7;
	v8 =	vadd.f32 v17, v8;
	v16 =	vld [tilespmem:s28+$0xFFFFFFB0]  }
0x5c: {  	v4 =	vadd.f32 v22, v4;
	v5 =	vadd.f32 v23, v5;
	v17 =	vld [tilespmem:s28+$0x20]  }
0x5d: {  	v7 =	vadd.f32 v14, v7;
	v8 =	vadd.f32 v15, v8;
	v14 =	vld [tilespmem:s28+$0x30]  }
0x5e: {  	v15 =	vadd.f32 v24, v4;
	v5 =	vadd.f32 v18, v5;
	v4 =	vld [tilespmem:s28+$0xA0]  }
.Ltmp0:
0x5f: {  	v11 =	vadd.f32 v11, v7;
	v8 =	vadd.f32 v13, v8;
	v7 =	vld [tilespmem:s28+$0xB0];
	(pc) =	sbr.rel @p0 .LBB2_3-.Ltmp0, $4  }
0x60: {  	v13 =	vadd.f32 v19, v15;
	v15 =	vadd.f32 v16, v5;
	v5 =	vld [tilespmem:s28+$0x120]  }
0x61: {  	v16 =	vadd.f32 v6, v11;
	v18 =	vadd.f32 v10, v8;
	v8 =	vld [tilespmem:s28+$0x130]  }
0x62: {  	v11 =	vadd.f32 v17, v13;
	v10 =	vadd.f32 v14, v15;
	v6 =	vld [tilespmem:s28+$0x1A0]  }
0x63: {  	v13 =	vadd.f32 v12, v16;
	v12 =	vadd.f32 v9, v18;
	v9 =	vld [tilespmem:s28+$0x1B0];
	s28 =	sadd.s32 $0x400, s28  }
0x64: {  	_ = 	snop  }
0x65: {  	v4 =	vadd.f32 v4, v11;
	v2 =	vadd.f32 v2, v13  }
0x66: {  	v7 =	vadd.f32 v7, v10;
	v3 =	vadd.f32 v3, v12  }
0x67: {  	s26 =	smul.u32 $0xC0, s25;
	v4 =	vadd.f32 v5, v4;
	v0 =	vadd.f32 v0, v2  }
0x68: {  	v2 =	vadd.f32 v8, v7;
	v1 =	vadd.f32 v1, v3  }
0x69: {  	s28 =	smul.u32 $0x960, s25;
	v3 =	vadd.f32 v6, v4;
	[tilespmem:s26+$0x19000] =	vst v0  }
0x6a: {  	v0 =	vadd.f32 v9, v2;
	[tilespmem:s26+$0x19010] =	vst v1  }
0x6b: {  	s28 =	sshra.s32 s28, $0x2;
	[tilespmem:s26+$0x19020] =	vst v3  }
0x6c: {  	s29 =	sadd.s32 $0x258, s28;
	[tilespmem:s26+$0x19030] =	vst v0  }
0x6d: {  	[tilespmem:s9], [sflag:$0x1] =	stream.indirect.gather [hbm4b:s3+s8], $0x80, s29, s8, $0xb8;
	[tilespmem:$0x1B000] =	vst v63  }
0x6e: {  	s29 =	sadd.s32 $0x2C0, s28  }
0x6f: {  	[tilespmem:s11], [sflag:$0x1] =	stream.indirect.gather [hbm4b:s3+s10], $0x80, s29, s10, $0xb8;
	[tilespmem:$0x1B000] =	vst v63  }
0x70: {  	_ =	swait.ge [sflag:s21], $0x3400  }
0x71: {  	[sflag:s21] =	ssyncset.done $0x0  }
0x72: {  	[sflag:s21] =	ssyncadd.s32 $0xFFFFCC00  }
0x73: {  	_ =	swait.ge [sflag:s21], $0x3000  }
0x74: {  	[sflag:s21] =	ssyncset.done $0x0  }
0x75: {  	s30 =	simm.s32 $0xC800;
	[sflag:s21] =	ssyncadd.s32 $0xFFFFD000  }
0x76: {  	v0 =	vld [tilespmem:s30+$0x380]  }
0x77: {  	v1 =	vld [tilespmem:s30+$0x390]  }
0x78: {  	v2 =	vld [tilespmem:s30+$0x300]  }
0x79: {  	v3 =	vld [tilespmem:s30+$0x310]  }
0x7a: {  	v9 =	vld [tilespmem:s30+$0x280]  }
0x7b: {  	v12 =	vld [tilespmem:s30+$0x290]  }
0x7c: {  	v7 =	vld [tilespmem:s30+$0x200]  }
0x7d: {  	v8 =	vld [tilespmem:s30+$0x210]  }
0x7e: {  	v5 =	vld [tilespmem:s30+$0x180]  }
0x7f: {  	v6 =	vld [tilespmem:s30+$0x190]  }
0x80: {  	v4 =	vld [tilespmem:s30+$0x100]  }
0x81: {  	v10 =	vld [tilespmem:s30+$0x110]  }
0x82: {  	v11 =	vld [tilespmem:s30+$0x80]  }
0x83: {  	v13 =	vld [tilespmem:s30+$0x90]  }
0x84: {  	v14 =	vld [tilespmem:s30+$0x0]  }
0x85: {  	v15 =	vld [tilespmem:s30+$0x10]  }
0x86: {  	v16 =	vld [tilespmem:s30+$0x20]  }
0x87: {  	v17 =	vld [tilespmem:s30+$0x30]  }
0x88: {  	v18 =	vld [tilespmem:s30+$0xA0]  }
0x89: {  	v19 =	vld [tilespmem:s30+$0xB0]  }
0x8a: {  	v20 =	vimm.f32 $0.0e+00;
	v21 =	vld [tilespmem:s30+$0x120]  }
0x8b: {  	v22 =	vld [tilespmem:s30+$0x130];
	v14 =	vadd.f32 v14, v20;
	v15 =	vadd.f32 v15, v20  }
0x8c: {  	v59 =	vld [tilespmem:s30+$0x1A0];
	v16 =	vadd.f32 v16, v20;
	v17 =	vadd.f32 v17, v20  }
0x8d: {  	v11 =	vadd.f32 v11, v14;
	v13 =	vadd.f32 v13, v15;
	v14 =	vld [tilespmem:s30+$0x1B0]  }
0x8e: {  	v61 =	vld [tilespmem:s30+$0x220];
	v15 =	vadd.f32 v18, v16;
	v60 =	vadd.f32 v19, v17  }
0x8f: {  	v11 =	vadd.f32 v4, v11;
	v10 =	vadd.f32 v10, v13;
	v13 =	vld [tilespmem:s30+$0x230]  }
0x90: {  	v15 =	vadd.f32 v21, v15;
	v16 =	vadd.f32 v22, v60;
	v4 =	vld [tilespmem:s30+$0x2A0]  }
0x91: {  	v11 =	vadd.f32 v5, v11;
	v10 =	vadd.f32 v6, v10;
	v6 =	vld [tilespmem:s30+$0x2B0]  }
0x92: {  	v15 =	vadd.f32 v59, v15;
	v5 =	vld [tilespmem:s30+$0x320];
	v14 =	vadd.f32 v14, v16  }
0x93: {  	v62 =	vadd.f32 v7, v11;
	v63 =	vadd.f32 v8, v10;
	v8 =	vld [tilespmem:s30+$0x330]  }
0x94: {  	v11 =	vadd.f32 v61, v15;
	v7 =	vld [tilespmem:s30+$0x3A0];
	v10 =	vadd.f32 v13, v14  }
0x95: {  	s29 =	simm.s32 $0x0;
	v13 =	vadd.f32 v9, v62;
	v12 =	vadd.f32 v12, v63;
	v9 =	vld [tilespmem:s30+$0x3B0];
	s30 =	simm.s32 $0xCC00  }
.LBB2_5:
0x96: {  	v14 =	vld [tilespmem:s30+$0x380];
	v4 =	vadd.f32 v4, v11;
	v6 =	vadd.f32 v6, v10  }
0x97: {  	v10 =	vld [tilespmem:s30+$0x390];
	v11 =	vadd.f32 v2, v13;
	v12 =	vadd.f32 v3, v12  }
0x98: {  	v2 =	vld [tilespmem:s30+$0x300];
	v4 =	vadd.f32 v5, v4;
	v5 =	vadd.f32 v8, v6  }
0x99: {  	v3 =	vld [tilespmem:s30+$0x310];
	v6 =	vadd.f32 v0, v11;
	v8 =	vadd.f32 v1, v12  }
0x9a: {  	v12 =	vld [tilespmem:s30+$0x280];
	v4 =	vadd.f32 v7, v4;
	v5 =	vadd.f32 v9, v5  }
0x9b: {  	v9 =	vld [tilespmem:s30+$0x290];
	v0 =	vmov v14  }
0x9c: {  	v7 =	vld [tilespmem:s30+$0x200];
	v1 =	vmov v10  }
0x9d: {  	v10 =	vld [tilespmem:s30+$0x210]  }
0x9e: {  	v11 =	vld [tilespmem:s30+$0x180]  }
0x9f: {  	v13 =	vld [tilespmem:s30+$0x190]  }
0xa0: {  	v14 =	vld [tilespmem:s30+$0x100]  }
0xa1: {  	v15 =	vld [tilespmem:s30+$0x110]  }
0xa2: {  	v16 =	vld [tilespmem:s30+$0x80]  }
0xa3: {  	v17 =	vld [tilespmem:s30+$0x90]  }
0xa4: {  	v18 =	vld [tilespmem:s30+$0x0]  }
0xa5: {  	v19 =	vld [tilespmem:s30+$0x10]  }
0xa6: {  	v20 =	vld [tilespmem:s30+$0x20]  }
0xa7: {  	s29 =	sadd.s32 $0x8, s29;
	v21 =	vld [tilespmem:s30+$0x30]  }
0xa8: {  	p0 =	slt.u32 s29, $0xC0;
	v22 =	vld [tilespmem:s30+$0xA0]  }
0xa9: {  	v23 =	vld [tilespmem:s30+$0xB0]  }
0xaa: {  	v24 =	vld [tilespmem:s30+$0x120]  }
0xab: {  	v6 =	vadd.f32 v18, v6;
	v8 =	vadd.f32 v19, v8;
	v18 =	vld [tilespmem:s30+$0x130]  }
0xac: {  	v4 =	vadd.f32 v20, v4;
	v5 =	vadd.f32 v21, v5;
	v19 =	vld [tilespmem:s30+$0x1A0]  }
0xad: {  	v6 =	vadd.f32 v16, v6;
	v8 =	vadd.f32 v17, v8;
	v16 =	vld [tilespmem:s30+$0x1B0]  }
0xae: {  	v4 =	vadd.f32 v22, v4;
	v5 =	vadd.f32 v23, v5;
	v17 =	vld [tilespmem:s30+$0x220]  }
0xaf: {  	v6 =	vadd.f32 v14, v6;
	v8 =	vadd.f32 v15, v8;
	v14 =	vld [tilespmem:s30+$0x230]  }
0xb0: {  	v15 =	vadd.f32 v24, v4;
	v5 =	vadd.f32 v18, v5;
	v4 =	vld [tilespmem:s30+$0x2A0]  }
.Ltmp1:
0xb1: {  	v11 =	vadd.f32 v11, v6;
	v8 =	vadd.f32 v13, v8;
	v6 =	vld [tilespmem:s30+$0x2B0];
	(pc) =	sbr.rel @p0 .LBB2_5-.Ltmp1, $4  }
0xb2: {  	v13 =	vadd.f32 v19, v15;
	v15 =	vadd.f32 v16, v5;
	v5 =	vld [tilespmem:s30+$0x320]  }
0xb3: {  	v16 =	vadd.f32 v7, v11;
	v18 =	vadd.f32 v10, v8;
	v8 =	vld [tilespmem:s30+$0x330]  }
0xb4: {  	v11 =	vadd.f32 v17, v13;
	v10 =	vadd.f32 v14, v15;
	v7 =	vld [tilespmem:s30+$0x3A0]  }
0xb5: {  	v13 =	vadd.f32 v12, v16;
	v12 =	vadd.f32 v9, v18;
	v9 =	vld [tilespmem:s30+$0x3B0];
	s30 =	sadd.s32 $0x400, s30  }
0xb6: {  	_ = 	snop  }
0xb7: {  	v4 =	vadd.f32 v4, v11;
	v2 =	vadd.f32 v2, v13  }
0xb8: {  	v6 =	vadd.f32 v6, v10;
	v3 =	vadd.f32 v3, v12  }
0xb9: {  	v4 =	vadd.f32 v5, v4;
	v0 =	vadd.f32 v0, v2  }
0xba: {  	v2 =	vadd.f32 v8, v6;
	v1 =	vadd.f32 v1, v3  }
0xbb: {  	v3 =	vadd.f32 v7, v4;
	[tilespmem:s26+$0x19040] =	vst v0  }
0xbc: {  	v0 =	vadd.f32 v9, v2;
	[tilespmem:s26+$0x19050] =	vst v1  }
0xbd: {  	[tilespmem:s26+$0x19060] =	vst v3  }
0xbe: {  	s29 =	sadd.s32 $0x320, s28;
	[tilespmem:s26+$0x19070] =	vst v0  }
0xbf: {  	[tilespmem:s13], [sflag:$0x2] =	stream.indirect.gather [hbm4b:s3+s8], $0x80, s29, s8, $0xb8;
	[tilespmem:$0x1B000] =	vst v63  }
0xc0: {  	s29 =	sadd.s32 $0x388, s28  }
0xc1: {  	[tilespmem:s15], [sflag:$0x2] =	stream.indirect.gather [hbm4b:s3+s10], $0x80, s29, s10, $0xb8;
	[tilespmem:$0x1B000] =	vst v63  }
0xc2: {  	_ =	swait.ge [sflag:s22], $0x3400  }
0xc3: {  	[sflag:s22] =	ssyncset.done $0x0  }
0xc4: {  	[sflag:s22] =	ssyncadd.s32 $0xFFFFCC00  }
0xc5: {  	_ =	swait.ge [sflag:s22], $0x3000  }
0xc6: {  	[sflag:s22] =	ssyncset.done $0x0  }
0xc7: {  	s30 =	simm.s32 $0x12C00;
	[sflag:s22] =	ssyncadd.s32 $0xFFFFD000  }
0xc8: {  	v0 =	vld [tilespmem:s30+$0x380]  }
0xc9: {  	v1 =	vld [tilespmem:s30+$0x390]  }
0xca: {  	v2 =	vld [tilespmem:s30+$0x300]  }
0xcb: {  	v3 =	vld [tilespmem:s30+$0x310]  }
0xcc: {  	v9 =	vld [tilespmem:s30+$0x280]  }
0xcd: {  	v12 =	vld [tilespmem:s30+$0x290]  }
0xce: {  	v6 =	vld [tilespmem:s30+$0x200]  }
0xcf: {  	v8 =	vld [tilespmem:s30+$0x210]  }
0xd0: {  	v5 =	vld [tilespmem:s30+$0x180]  }
0xd1: {  	v7 =	vld [tilespmem:s30+$0x190]  }
0xd2: {  	v4 =	vld [tilespmem:s30+$0x100]  }
0xd3: {  	v10 =	vld [tilespmem:s30+$0x110]  }
0xd4: {  	v11 =	vld [tilespmem:s30+$0x80]  }
0xd5: {  	v13 =	vld [tilespmem:s30+$0x90]  }
0xd6: {  	v14 =	vld [tilespmem:s30+$0x0]  }
0xd7: {  	v15 =	vld [tilespmem:s30+$0x10]  }
0xd8: {  	v16 =	vld [tilespmem:s30+$0x20]  }
0xd9: {  	v17 =	vld [tilespmem:s30+$0x30]  }
0xda: {  	v18 =	vld [tilespmem:s30+$0xA0]  }
0xdb: {  	v19 =	vld [tilespmem:s30+$0xB0]  }
0xdc: {  	v20 =	vimm.f32 $0.0e+00;
	v21 =	vld [tilespmem:s30+$0x120]  }
0xdd: {  	v22 =	vld [tilespmem:s30+$0x130];
	v14 =	vadd.f32 v14, v20;
	v15 =	vadd.f32 v15, v20  }
0xde: {  	v59 =	vld [tilespmem:s30+$0x1A0];
	v16 =	vadd.f32 v16, v20;
	v17 =	vadd.f32 v17, v20  }
0xdf: {  	v11 =	vadd.f32 v11, v14;
	v13 =	vadd.f32 v13, v15;
	v14 =	vld [tilespmem:s30+$0x1B0]  }
0xe0: {  	v61 =	vld [tilespmem:s30+$0x220];
	v15 =	vadd.f32 v18, v16;
	v60 =	vadd.f32 v19, v17  }
0xe1: {  	v11 =	vadd.f32 v4, v11;
	v10 =	vadd.f32 v10, v13;
	v13 =	vld [tilespmem:s30+$0x230]  }
0xe2: {  	v15 =	vadd.f32 v21, v15;
	v16 =	vadd.f32 v22, v60;
	v4 =	vld [tilespmem:s30+$0x2A0]  }
0xe3: {  	v11 =	vadd.f32 v5, v11;
	v10 =	vadd.f32 v7, v10;
	v7 =	vld [tilespmem:s30+$0x2B0]  }
0xe4: {  	v15 =	vadd.f32 v59, v15;
	v5 =	vld [tilespmem:s30+$0x320];
	v14 =	vadd.f32 v14, v16  }
0xe5: {  	v62 =	vadd.f32 v6, v11;
	v63 =	vadd.f32 v8, v10;
	v8 =	vld [tilespmem:s30+$0x330]  }
0xe6: {  	v11 =	vadd.f32 v61, v15;
	v6 =	vld [tilespmem:s30+$0x3A0];
	v10 =	vadd.f32 v13, v14  }
0xe7: {  	s29 =	simm.s32 $0x0;
	v13 =	vadd.f32 v9, v62;
	v12 =	vadd.f32 v12, v63;
	v9 =	vld [tilespmem:s30+$0x3B0];
	s30 =	simm.s32 $0x13000  }
.LBB2_7:
0xe8: {  	v14 =	vld [tilespmem:s30+$0x380];
	v4 =	vadd.f32 v4, v11;
	v7 =	vadd.f32 v7, v10  }
0xe9: {  	v10 =	vld [tilespmem:s30+$0x390];
	v11 =	vadd.f32 v2, v13;
	v12 =	vadd.f32 v3, v12  }
0xea: {  	v2 =	vld [tilespmem:s30+$0x300];
	v4 =	vadd.f32 v5, v4;
	v5 =	vadd.f32 v8, v7  }
0xeb: {  	v3 =	vld [tilespmem:s30+$0x310];
	v7 =	vadd.f32 v0, v11;
	v8 =	vadd.f32 v1, v12  }
0xec: {  	v12 =	vld [tilespmem:s30+$0x280];
	v4 =	vadd.f32 v6, v4;
	v5 =	vadd.f32 v9, v5  }
0xed: {  	v9 =	vld [tilespmem:s30+$0x290];
	v0 =	vmov v14  }
0xee: {  	v6 =	vld [tilespmem:s30+$0x200];
	v1 =	vmov v10  }
0xef: {  	v10 =	vld [tilespmem:s30+$0x210]  }
0xf0: {  	v11 =	vld [tilespmem:s30+$0x180]  }
0xf1: {  	v13 =	vld [tilespmem:s30+$0x190]  }
0xf2: {  	v14 =	vld [tilespmem:s30+$0x100]  }
0xf3: {  	v15 =	vld [tilespmem:s30+$0x110]  }
0xf4: {  	v16 =	vld [tilespmem:s30+$0x80]  }
0xf5: {  	v17 =	vld [tilespmem:s30+$0x90]  }
0xf6: {  	v18 =	vld [tilespmem:s30+$0x0]  }
0xf7: {  	v19 =	vld [tilespmem:s30+$0x10]  }
0xf8: {  	v20 =	vld [tilespmem:s30+$0x20]  }
0xf9: {  	s29 =	sadd.s32 $0x8, s29;
	v21 =	vld [tilespmem:s30+$0x30]  }
0xfa: {  	p0 =	slt.u32 s29, $0xC0;
	v22 =	vld [tilespmem:s30+$0xA0]  }
0xfb: {  	v23 =	vld [tilespmem:s30+$0xB0]  }
0xfc: {  	v24 =	vld [tilespmem:s30+$0x120]  }
0xfd: {  	v7 =	vadd.f32 v18, v7;
	v8 =	vadd.f32 v19, v8;
	v18 =	vld [tilespmem:s30+$0x130]  }
0xfe: {  	v4 =	vadd.f32 v20, v4;
	v5 =	vadd.f32 v21, v5;
	v19 =	vld [tilespmem:s30+$0x1A0]  }
0xff: {  	v7 =	vadd.f32 v16, v7;
	v8 =	vadd.f32 v17, v8;
	v16 =	vld [tilespmem:s30+$0x1B0]  }
0x100: {  	v4 =	vadd.f32 v22, v4;
	v5 =	vadd.f32 v23, v5;
	v17 =	vld [tilespmem:s30+$0x220]  }
0x101: {  	v7 =	vadd.f32 v14, v7;
	v8 =	vadd.f32 v15, v8;
	v14 =	vld [tilespmem:s30+$0x230]  }
0x102: {  	v15 =	vadd.f32 v24, v4;
	v5 =	vadd.f32 v18, v5;
	v4 =	vld [tilespmem:s30+$0x2A0]  }
.Ltmp2:
0x103: {  	v11 =	vadd.f32 v11, v7;
	v8 =	vadd.f32 v13, v8;
	v7 =	vld [tilespmem:s30+$0x2B0];
	(pc) =	sbr.rel @p0 .LBB2_7-.Ltmp2, $4  }
0x104: {  	v13 =	vadd.f32 v19, v15;
	v15 =	vadd.f32 v16, v5;
	v5 =	vld [tilespmem:s30+$0x320]  }
0x105: {  	v16 =	vadd.f32 v6, v11;
	v18 =	vadd.f32 v10, v8;
	v8 =	vld [tilespmem:s30+$0x330]  }
0x106: {  	v11 =	vadd.f32 v17, v13;
	v10 =	vadd.f32 v14, v15;
	v6 =	vld [tilespmem:s30+$0x3A0]  }
0x107: {  	v13 =	vadd.f32 v12, v16;
	v12 =	vadd.f32 v9, v18;
	v9 =	vld [tilespmem:s30+$0x3B0];
	s30 =	sadd.s32 $0x400, s30  }
0x108: {  	_ = 	snop  }
0x109: {  	v4 =	vadd.f32 v4, v11;
	v2 =	vadd.f32 v2, v13  }
0x10a: {  	v7 =	vadd.f32 v7, v10;
	v3 =	vadd.f32 v3, v12  }
0x10b: {  	p0 =	seq.s32 s25, $0x29;
	v4 =	vadd.f32 v5, v4;
	v0 =	vadd.f32 v0, v2  }
.Ltmp3:
0x10c: {  	s29 =	sand.u32 $0x3FC0, s26;
	v61 =	vadd.f32 v8, v7;
	v1 =	vadd.f32 v1, v3;
	(pc) =	sbr.rel @p0 .LBB2_10-.Ltmp3, $4  }
0x10d: {  	v62 =	vadd.f32 v6, v4;
	[tilespmem:s29+$0x19080] =	vst v0  }
0x10e: {  	v63 =	vadd.f32 v9, v61;
	[tilespmem:s26+$0x19090] =	vst v1  }
0x10f: {  	[tilespmem:s26+$0x190A0] =	vst v62  }
0x110: {  	[tilespmem:s26+$0x190B0] =	vst v63  }
.Ltmp4:
0x111: {  	(pc) =	sbr.rel .LBB2_2-.Ltmp4, $4  }
0x112: {  	s26 =	sadd.s32 $0x3E8, s28  }
0x113: {  	[tilespmem:s17], [sflag:$0x3] =	stream.indirect.gather [hbm4b:s3+s8], $0x80, s26, s8, $0xb8;
	[tilespmem:$0x1B000] =	vst v63  }
0x114: {  	s31 =	sadd.s32 $0x450, s28;
	s25 =	sadd.s32 $0x1, s25  }
0x115: {  	[tilespmem:s19], [sflag:$0x3] =	stream.indirect.gather [hbm4b:s3+s10], $0x80, s31, s10, $0xb8;
	[tilespmem:$0x1B000] =	vst v63  }
.LBB2_10:
0x116: {  	_ =	swait.ge [sflag:s20], $0x3400  }
0x117: {  	[sflag:s20] =	ssyncset.done $0x0  }
0x118: {  	[sflag:s20] =	ssyncadd.s32 $0xFFFFCC00  }
0x119: {  	_ =	swait.ge [sflag:s20], $0x3000  }
0x11a: {  	[sflag:s20] =	ssyncset.done $0x0  }
0x11b: {  	s26 =	simm.s32 $0x6600;
	[sflag:s20] =	ssyncadd.s32 $0xFFFFD000  }
0x11c: {  	v0 =	vld [tilespmem:s26+$0x180]  }
0x11d: {  	v1 =	vld [tilespmem:s26+$0x190]  }
0x11e: {  	v2 =	vld [tilespmem:s26+$0x100]  }
0x11f: {  	v3 =	vld [tilespmem:s26+$0x110]  }
0x120: {  	v9 =	vld [tilespmem:s26+$0x80]  }
0x121: {  	v12 =	vld [tilespmem:s26+$0x90]  }
0x122: {  	v7 =	vld [tilespmem:s26+$0x0]  }
0x123: {  	v8 =	vld [tilespmem:s26+$0x10]  }
0x124: {  	v5 =	vld [tilespmem:s26+$0xFFFFFF80]  }
0x125: {  	v6 =	vld [tilespmem:s26+$0xFFFFFF90]  }
0x126: {  	v4 =	vld [tilespmem:s26+$0xFFFFFF00]  }
0x127: {  	v10 =	vld [tilespmem:s26+$0xFFFFFF10]  }
0x128: {  	v11 =	vld [tilespmem:s26+$0xFFFFFE80]  }
0x129: {  	v13 =	vld [tilespmem:s26+$0xFFFFFE90]  }
0x12a: {  	v14 =	vld [tilespmem:s26+$0xFFFFFE00]  }
0x12b: {  	v15 =	vld [tilespmem:s26+$0xFFFFFE10]  }
0x12c: {  	v16 =	vld [tilespmem:s26+$0xFFFFFE20]  }
0x12d: {  	v17 =	vld [tilespmem:s26+$0xFFFFFE30]  }
0x12e: {  	v18 =	vld [tilespmem:s26+$0xFFFFFEA0]  }
0x12f: {  	v19 =	vld [tilespmem:s26+$0xFFFFFEB0]  }
0x130: {  	v20 =	vimm.f32 $0.0e+00;
	v21 =	vld [tilespmem:s26+$0xFFFFFF20]  }
0x131: {  	v22 =	vld [tilespmem:s26+$0xFFFFFF30];
	v14 =	vadd.f32 v14, v20;
	v15 =	vadd.f32 v15, v20  }
0x132: {  	v59 =	vld [tilespmem:s26+$0xFFFFFFA0];
	v16 =	vadd.f32 v16, v20;
	v17 =	vadd.f32 v17, v20  }
0x133: {  	v11 =	vadd.f32 v11, v14;
	v13 =	vadd.f32 v13, v15;
	v14 =	vld [tilespmem:s26+$0xFFFFFFB0]  }
0x134: {  	v61 =	vld [tilespmem:s26+$0x20];
	v15 =	vadd.f32 v18, v16;
	v60 =	vadd.f32 v19, v17  }
0x135: {  	v11 =	vadd.f32 v4, v11;
	v10 =	vadd.f32 v10, v13;
	v13 =	vld [tilespmem:s26+$0x30]  }
0x136: {  	v15 =	vadd.f32 v21, v15;
	v16 =	vadd.f32 v22, v60;
	v4 =	vld [tilespmem:s26+$0xA0]  }
0x137: {  	v11 =	vadd.f32 v5, v11;
	v10 =	vadd.f32 v6, v10;
	v6 =	vld [tilespmem:s26+$0xB0]  }
0x138: {  	v15 =	vadd.f32 v59, v15;
	v5 =	vld [tilespmem:s26+$0x120];
	v14 =	vadd.f32 v14, v16  }
0x139: {  	v62 =	vadd.f32 v7, v11;
	v63 =	vadd.f32 v8, v10;
	v8 =	vld [tilespmem:s26+$0x130]  }
0x13a: {  	v11 =	vadd.f32 v61, v15;
	v7 =	vld [tilespmem:s26+$0x1A0];
	v10 =	vadd.f32 v13, v14  }
0x13b: {  	s25 =	simm.s32 $0x0;
	v13 =	vadd.f32 v9, v62;
	v12 =	vadd.f32 v12, v63;
	v9 =	vld [tilespmem:s26+$0x1B0];
	s26 =	simm.s32 $0x6A00  }
.LBB2_11:
0x13c: {  	v14 =	vld [tilespmem:s26+$0x180];
	v4 =	vadd.f32 v4, v11;
	v6 =	vadd.f32 v6, v10  }
0x13d: {  	v10 =	vld [tilespmem:s26+$0x190];
	v11 =	vadd.f32 v2, v13;
	v12 =	vadd.f32 v3, v12  }
0x13e: {  	v2 =	vld [tilespmem:s26+$0x100];
	v4 =	vadd.f32 v5, v4;
	v5 =	vadd.f32 v8, v6  }
0x13f: {  	v3 =	vld [tilespmem:s26+$0x110];
	v6 =	vadd.f32 v0, v11;
	v8 =	vadd.f32 v1, v12  }
0x140: {  	v12 =	vld [tilespmem:s26+$0x80];
	v4 =	vadd.f32 v7, v4;
	v5 =	vadd.f32 v9, v5  }
0x141: {  	v9 =	vld [tilespmem:s26+$0x90];
	v0 =	vmov v14  }
0x142: {  	v7 =	vld [tilespmem:s26+$0x0];
	v1 =	vmov v10  }
0x143: {  	v10 =	vld [tilespmem:s26+$0x10]  }
0x144: {  	v11 =	vld [tilespmem:s26+$0xFFFFFF80]  }
0x145: {  	v13 =	vld [tilespmem:s26+$0xFFFFFF90]  }
0x146: {  	v14 =	vld [tilespmem:s26+$0xFFFFFF00]  }
0x147: {  	v15 =	vld [tilespmem:s26+$0xFFFFFF10]  }
0x148: {  	v16 =	vld [tilespmem:s26+$0xFFFFFE80]  }
0x149: {  	v17 =	vld [tilespmem:s26+$0xFFFFFE90]  }
0x14a: {  	v18 =	vld [tilespmem:s26+$0xFFFFFE00]  }
0x14b: {  	v19 =	vld [tilespmem:s26+$0xFFFFFE10]  }
0x14c: {  	v20 =	vld [tilespmem:s26+$0xFFFFFE20]  }
0x14d: {  	s25 =	sadd.s32 $0x8, s25;
	v21 =	vld [tilespmem:s26+$0xFFFFFE30]  }
0x14e: {  	p0 =	slt.u32 s25, $0xC0;
	v22 =	vld [tilespmem:s26+$0xFFFFFEA0]  }
0x14f: {  	v23 =	vld [tilespmem:s26+$0xFFFFFEB0]  }
0x150: {  	v24 =	vld [tilespmem:s26+$0xFFFFFF20]  }
0x151: {  	v6 =	vadd.f32 v18, v6;
	v8 =	vadd.f32 v19, v8;
	v18 =	vld [tilespmem:s26+$0xFFFFFF30]  }
0x152: {  	v4 =	vadd.f32 v20, v4;
	v5 =	vadd.f32 v21, v5;
	v19 =	vld [tilespmem:s26+$0xFFFFFFA0]  }
0x153: {  	v6 =	vadd.f32 v16, v6;
	v8 =	vadd.f32 v17, v8;
	v16 =	vld [tilespmem:s26+$0xFFFFFFB0]  }
0x154: {  	v4 =	vadd.f32 v22, v4;
	v5 =	vadd.f32 v23, v5;
	v17 =	vld [tilespmem:s26+$0x20]  }
0x155: {  	v6 =	vadd.f32 v14, v6;
	v8 =	vadd.f32 v15, v8;
	v14 =	vld [tilespmem:s26+$0x30]  }
0x156: {  	v15 =	vadd.f32 v24, v4;
	v5 =	vadd.f32 v18, v5;
	v4 =	vld [tilespmem:s26+$0xA0]  }
.Ltmp5:
0x157: {  	v11 =	vadd.f32 v11, v6;
	v8 =	vadd.f32 v13, v8;
	v6 =	vld [tilespmem:s26+$0xB0];
	(pc) =	sbr.rel @p0 .LBB2_11-.Ltmp5, $4  }
0x158: {  	v13 =	vadd.f32 v19, v15;
	v15 =	vadd.f32 v16, v5;
	v5 =	vld [tilespmem:s26+$0x120]  }
0x159: {  	v16 =	vadd.f32 v7, v11;
	v18 =	vadd.f32 v10, v8;
	v8 =	vld [tilespmem:s26+$0x130]  }
0x15a: {  	v11 =	vadd.f32 v17, v13;
	v10 =	vadd.f32 v14, v15;
	v7 =	vld [tilespmem:s26+$0x1A0]  }
0x15b: {  	v13 =	vadd.f32 v12, v16;
	v12 =	vadd.f32 v9, v18;
	v9 =	vld [tilespmem:s26+$0x1B0];
	s26 =	sadd.s32 $0x400, s26  }
0x15c: {  	_ = 	snop  }
0x15d: {  	v4 =	vadd.f32 v4, v11;
	v2 =	vadd.f32 v2, v13  }
0x15e: {  	v6 =	vadd.f32 v6, v10;
	v3 =	vadd.f32 v3, v12  }
0x15f: {  	v4 =	vadd.f32 v5, v4;
	v0 =	vadd.f32 v0, v2  }
0x160: {  	v2 =	vadd.f32 v8, v6;
	v1 =	vadd.f32 v1, v3  }
0x161: {  	v3 =	vadd.f32 v7, v4;
	[tilespmem:$0x1AF80] =	vst v0  }
0x162: {  	v0 =	vadd.f32 v9, v2;
	[tilespmem:$0x1AF90] =	vst v1  }
0x163: {  	[tilespmem:$0x1AFA0] =	vst v3  }
0x164: {  	[tilespmem:$0x1AFB0] =	vst v0  }
0x165: {  	_ =	swait.ge [sflag:s21], $0x3400  }
0x166: {  	[sflag:s21] =	ssyncset.done $0x0  }
0x167: {  	[sflag:s21] =	ssyncadd.s32 $0xFFFFCC00  }
0x168: {  	_ =	swait.ge [sflag:s21], $0x3000  }
0x169: {  	[sflag:s21] =	ssyncset.done $0x0  }
0x16a: {  	s26 =	simm.s32 $0xC800;
	[sflag:s21] =	ssyncadd.s32 $0xFFFFD000  }
0x16b: {  	v0 =	vld [tilespmem:s26+$0x380]  }
0x16c: {  	v1 =	vld [tilespmem:s26+$0x390]  }
0x16d: {  	v2 =	vld [tilespmem:s26+$0x300]  }
0x16e: {  	v3 =	vld [tilespmem:s26+$0x310]  }
0x16f: {  	v9 =	vld [tilespmem:s26+$0x280]  }
0x170: {  	v12 =	vld [tilespmem:s26+$0x290]  }
0x171: {  	v7 =	vld [tilespmem:s26+$0x200]  }
0x172: {  	v8 =	vld [tilespmem:s26+$0x210]  }
0x173: {  	v5 =	vld [tilespmem:s26+$0x180]  }
0x174: {  	v6 =	vld [tilespmem:s26+$0x190]  }
0x175: {  	v4 =	vld [tilespmem:s26+$0x100]  }
0x176: {  	v10 =	vld [tilespmem:s26+$0x110]  }
0x177: {  	v11 =	vld [tilespmem:s26+$0x80]  }
0x178: {  	v13 =	vld [tilespmem:s26+$0x90]  }
0x179: {  	v14 =	vld [tilespmem:s26+$0x0]  }
0x17a: {  	v15 =	vld [tilespmem:s26+$0x10]  }
0x17b: {  	v16 =	vld [tilespmem:s26+$0x20]  }
0x17c: {  	v17 =	vld [tilespmem:s26+$0x30]  }
0x17d: {  	v18 =	vld [tilespmem:s26+$0xA0]  }
0x17e: {  	v19 =	vld [tilespmem:s26+$0xB0]  }
0x17f: {  	v20 =	vimm.f32 $0.0e+00;
	v21 =	vld [tilespmem:s26+$0x120]  }
0x180: {  	v22 =	vld [tilespmem:s26+$0x130];
	v14 =	vadd.f32 v14, v20;
	v15 =	vadd.f32 v15, v20  }
0x181: {  	v59 =	vld [tilespmem:s26+$0x1A0];
	v16 =	vadd.f32 v16, v20;
	v17 =	vadd.f32 v17, v20  }
0x182: {  	v11 =	vadd.f32 v11, v14;
	v13 =	vadd.f32 v13, v15;
	v14 =	vld [tilespmem:s26+$0x1B0]  }
0x183: {  	v61 =	vld [tilespmem:s26+$0x220];
	v15 =	vadd.f32 v18, v16;
	v60 =	vadd.f32 v19, v17  }
0x184: {  	v11 =	vadd.f32 v4, v11;
	v10 =	vadd.f32 v10, v13;
	v13 =	vld [tilespmem:s26+$0x230]  }
0x185: {  	v15 =	vadd.f32 v21, v15;
	v16 =	vadd.f32 v22, v60;
	v4 =	vld [tilespmem:s26+$0x2A0]  }
0x186: {  	v11 =	vadd.f32 v5, v11;
	v10 =	vadd.f32 v6, v10;
	v6 =	vld [tilespmem:s26+$0x2B0]  }
0x187: {  	v15 =	vadd.f32 v59, v15;
	v5 =	vld [tilespmem:s26+$0x320];
	v14 =	vadd.f32 v14, v16  }
0x188: {  	v62 =	vadd.f32 v7, v11;
	v63 =	vadd.f32 v8, v10;
	v8 =	vld [tilespmem:s26+$0x330]  }
0x189: {  	v11 =	vadd.f32 v61, v15;
	v7 =	vld [tilespmem:s26+$0x3A0];
	v10 =	vadd.f32 v13, v14  }
0x18a: {  	s25 =	simm.s32 $0x0;
	v13 =	vadd.f32 v9, v62;
	v12 =	vadd.f32 v12, v63;
	v9 =	vld [tilespmem:s26+$0x3B0];
	s26 =	simm.s32 $0xCC00  }
.LBB2_13:
0x18b: {  	v14 =	vld [tilespmem:s26+$0x380];
	v4 =	vadd.f32 v4, v11;
	v6 =	vadd.f32 v6, v10  }
0x18c: {  	v10 =	vld [tilespmem:s26+$0x390];
	v11 =	vadd.f32 v2, v13;
	v12 =	vadd.f32 v3, v12  }
0x18d: {  	v2 =	vld [tilespmem:s26+$0x300];
	v4 =	vadd.f32 v5, v4;
	v5 =	vadd.f32 v8, v6  }
0x18e: {  	v3 =	vld [tilespmem:s26+$0x310];
	v6 =	vadd.f32 v0, v11;
	v8 =	vadd.f32 v1, v12  }
0x18f: {  	v12 =	vld [tilespmem:s26+$0x280];
	v4 =	vadd.f32 v7, v4;
	v5 =	vadd.f32 v9, v5  }
0x190: {  	v9 =	vld [tilespmem:s26+$0x290];
	v0 =	vmov v14  }
0x191: {  	v7 =	vld [tilespmem:s26+$0x200];
	v1 =	vmov v10  }
0x192: {  	v10 =	vld [tilespmem:s26+$0x210]  }
0x193: {  	v11 =	vld [tilespmem:s26+$0x180]  }
0x194: {  	v13 =	vld [tilespmem:s26+$0x190]  }
0x195: {  	v14 =	vld [tilespmem:s26+$0x100]  }
0x196: {  	v15 =	vld [tilespmem:s26+$0x110]  }
0x197: {  	v16 =	vld [tilespmem:s26+$0x80]  }
0x198: {  	v17 =	vld [tilespmem:s26+$0x90]  }
0x199: {  	v18 =	vld [tilespmem:s26+$0x0]  }
0x19a: {  	v19 =	vld [tilespmem:s26+$0x10]  }
0x19b: {  	v20 =	vld [tilespmem:s26+$0x20]  }
0x19c: {  	s25 =	sadd.s32 $0x8, s25;
	v21 =	vld [tilespmem:s26+$0x30]  }
0x19d: {  	p0 =	slt.u32 s25, $0xC0;
	v22 =	vld [tilespmem:s26+$0xA0]  }
0x19e: {  	v23 =	vld [tilespmem:s26+$0xB0]  }
0x19f: {  	v24 =	vld [tilespmem:s26+$0x120]  }
0x1a0: {  	v6 =	vadd.f32 v18, v6;
	v8 =	vadd.f32 v19, v8;
	v18 =	vld [tilespmem:s26+$0x130]  }
0x1a1: {  	v4 =	vadd.f32 v20, v4;
	v5 =	vadd.f32 v21, v5;
	v19 =	vld [tilespmem:s26+$0x1A0]  }
0x1a2: {  	v6 =	vadd.f32 v16, v6;
	v8 =	vadd.f32 v17, v8;
	v16 =	vld [tilespmem:s26+$0x1B0]  }
0x1a3: {  	v4 =	vadd.f32 v22, v4;
	v5 =	vadd.f32 v23, v5;
	v17 =	vld [tilespmem:s26+$0x220]  }
0x1a4: {  	v6 =	vadd.f32 v14, v6;
	v8 =	vadd.f32 v15, v8;
	v14 =	vld [tilespmem:s26+$0x230]  }
0x1a5: {  	v15 =	vadd.f32 v24, v4;
	v5 =	vadd.f32 v18, v5;
	v4 =	vld [tilespmem:s26+$0x2A0]  }
.Ltmp6:
0x1a6: {  	v11 =	vadd.f32 v11, v6;
	v8 =	vadd.f32 v13, v8;
	v6 =	vld [tilespmem:s26+$0x2B0];
	(pc) =	sbr.rel @p0 .LBB2_13-.Ltmp6, $4  }
0x1a7: {  	v13 =	vadd.f32 v19, v15;
	v15 =	vadd.f32 v16, v5;
	v5 =	vld [tilespmem:s26+$0x320]  }
0x1a8: {  	v16 =	vadd.f32 v7, v11;
	v18 =	vadd.f32 v10, v8;
	v8 =	vld [tilespmem:s26+$0x330]  }
0x1a9: {  	v11 =	vadd.f32 v17, v13;
	v10 =	vadd.f32 v14, v15;
	v7 =	vld [tilespmem:s26+$0x3A0]  }
0x1aa: {  	v13 =	vadd.f32 v12, v16;
	v12 =	vadd.f32 v9, v18;
	v9 =	vld [tilespmem:s26+$0x3B0];
	s26 =	sadd.s32 $0x400, s26  }
0x1ab: {  	_ = 	snop  }
0x1ac: {  	v4 =	vadd.f32 v4, v11;
	v2 =	vadd.f32 v2, v13  }
0x1ad: {  	v6 =	vadd.f32 v6, v10;
	v3 =	vadd.f32 v3, v12  }
0x1ae: {  	v4 =	vadd.f32 v5, v4;
	v0 =	vadd.f32 v0, v2  }
0x1af: {  	v61 =	vadd.f32 v8, v6;
	v1 =	vadd.f32 v1, v3  }
0x1b0: {  	v62 =	vadd.f32 v7, v4;
	[tilespmem:$0x1AFC0] =	vst v0  }
0x1b1: {  	s24 =	sadd.s32 $0x1, s24;
	v63 =	vadd.f32 v9, v61;
	[tilespmem:$0x1AFD0] =	vst v1  }
0x1b2: {  	p0 =	sne.s32 s24, s6;
	[tilespmem:$0x1AFE0] =	vst v62  }
.Ltmp7:
0x1b3: {  	[tilespmem:$0x1AFF0] =	vst v63;
	(pc) =	sbr.rel @p0 .LBB2_1-.Ltmp7, $4  }
0x1b4: {  	[hbm4b:s5+s2] =	stream.linear.scatter [tilespmem:s23], [sflag:$0x4], $0x2000, $0x38;
	[tilespmem:$0x1B000] =	vst v63  }
0x1b5: {  	_ =	swait.ge [sflag:s7], $0x2000  }
0x1b6: {  	[sflag:s7] =	ssyncset.done $0x0  }
0x1b7: {  	[sflag:s7] =	ssyncadd.s32 $0xFFFFE000  }
0x1b8: {  	_ =	sfence.sel $0x180000  }
0x1b9: {  	[bflag:$0x0] =	sbarrier.arrive $0xFFFF  }
0x1ba: {  	p0 =	sne.s32 s0, $0x0;
	_ =	strace $0x90000047  }
0x1bb: {  	s0 =	sadd.s32 @!p0 $0x100000, s1;
	[bflag:$0x2] =	sbarrier.arrive $0xFFFF  }
0x1bc: {  	[sflag:s0] =	ssyncadd.tile.s32 @!p0 $0x1;
	_ =	shalt  }
.Lfunc_end2:
_tile_overlayer_lowered:
.L_overlay_start_2:
0x1bd: {  	(tag) =	ssettag $0x2  }
0x1be: {  	s0 =	rddreg [dreg:$0x0];
	s2 =	stileid.u32  }
0x1bf: {  	s1 =	rddreg [dreg:$0x1];
	p0 =	sne.s32 s2, $0x0  }
0x1c0: {  	s3 =	rddreg [dreg:$0x2];
	[bflag:$0x3] =	sbarrier.arrive $0xFFFF;
	s2 =	simm.s32 @!p0 $0x1C04  }
0x1c1: {  	[timem:s3], [sflag:s2] =	dma.local @!p0 [hbm:s0], s1  }
0x1c2: {  	s0 =	simm.s32 @!p0 $0x4  }
0x1c3: {  	_ =	swait.ge @!p0 [sflag:s0], s1  }
0x1c4: {  	s1 =	ssub.s32 @!p0 $0x0, s1;
	[sflag:s0] =	ssyncset.done @!p0 $0x0  }
0x1c5: {  	[sflag:s0] =	ssyncadd.s32 @!p0 s1  }
0x1c6: {  	[bflag:$0x3] =	sbarrier.arrive $0xFFFF  }
0x1c7: {  	_ =	shalt  }

</sc_bundles>
